<compile_context>
chip_gen: v7x
topology: tpu7x:2x2x1
jax: 0.10.2.dev20260603
libtpu: 0.0.44.dev20260713+nightly
codegen_flags: <defaults>
</compile_context>

<pallas_src>
import functools

import jax
import jax.numpy as jnp
from jax import lax
from jax.experimental import pallas as pl
from jax.experimental.pallas import tpu as pltpu
from jax.experimental.pallas import tpu_sc as plsc

_B, _N, _D = 2, 8192, 768
_H, _Dh, _P = 12, 64, 4
_INNER = _H * _Dh
_LM = 2 * _N
_MAX_OFFSET = 4.0

_BSV = 512
_BSQ = 256
_BSC = 2048
_BSO = 256

_NW = 32
_TAPS = 8
_PW = 2 * _Dh
_E = _B * _N * _H * _P
_EPW = _E // _NW
_CHUNK = 256
_NCHUNK = _EPW // _CHUNK

_HIGH = jax.lax.Precision.HIGHEST


def _v_body(mem_ref, te_ref, g_ref, b_ref, wv_ref, bv_ref, out_ref):
    m = mem_ref[...] + te_ref[0]
    mu = jnp.mean(m, axis=-1, keepdims=True)
    var = jnp.mean((m - mu) ** 2, axis=-1, keepdims=True)
    ln = (m - mu) * lax.rsqrt(var + 1e-5) * g_ref[...] + b_ref[...]
    out_ref[...] = (
        jnp.dot(ln, wv_ref[...], preferred_element_type=jnp.float32)
        + bv_ref[...]
    )


def _q_body(x_ref, px_ref, te_ref, g_ref, b_ref, wq_ref, bq_ref, wh_ref,
            bh_ref, gmat_ref, sel_ref, idx_ref, w_ref):
    b = pl.program_id(0)
    xx = x_ref[0] + te_ref[1:2, :]
    pp = px_ref[0] + te_ref[0:1, :]
    two_d = 2.0 * _D
    mu = (jnp.sum(pp, -1, keepdims=True) + jnp.sum(xx, -1, keepdims=True)) / two_d
    ss = (jnp.sum((pp - mu) ** 2, -1, keepdims=True)
          + jnp.sum((xx - mu) ** 2, -1, keepdims=True))
    rinv = lax.rsqrt(ss / two_d + 1e-5)
    cat = jnp.concatenate([(pp - mu) * rinv, (xx - mu) * rinv], axis=-1)
    cat = cat * g_ref[...] + b_ref[...]
    q = jnp.dot(cat, wq_ref[...], preferred_element_type=jnp.float32) + bq_ref[...]
    heads = (jnp.dot(q, wh_ref[...], preferred_element_type=jnp.float32)
             + bh_ref[...])
    zr = heads[:, 0:128]
    zd = heads[:, 128:256]
    zw = heads[:, 256:384]

    c = lax.broadcasted_iota(jnp.int32, (_BSQ, 128), 1)
    hcol = c // _TAPS
    pcol = (c % _TAPS) // 2
    side = c % 2

    ref_idx = jax.nn.sigmoid(zr) * (_LM - 1.0)
    pos = ref_idx + (pcol.astype(jnp.float32) - (_P - 1) / 2.0) \
        + jnp.tanh(zd) * _MAX_OFFSET
    valid = (pos >= 0.0) & (pos <= _LM - 1.0)

    m_row = jnp.max(zw, axis=-1, keepdims=True)
    e = jnp.exp(zw - m_row)
    s0 = jnp.dot(e, gmat_ref[...], preferred_element_type=jnp.float32,
                 precision=_HIGH)
    em = jnp.where(valid, e, 0.0)
    s1 = jnp.dot(em, gmat_ref[...], preferred_element_type=jnp.float32,
                 precision=_HIGH)
    attn = (em / s0) / (s1 / s0 + 1e-6)

    posc = jnp.clip(pos, 0.0, _LM - 1.0)
    leftf = jnp.floor(posc)
    frac = posc - leftf
    wgt = attn * jnp.where(side == 0, 1.0 - frac, frac)
    flatf = (b * float(_LM) + leftf) * float(_H) + hcol.astype(jnp.float32)
    idx48 = jnp.dot(flatf, sel_ref[...], preferred_element_type=jnp.float32,
                    precision=_HIGH)
    idx_ref[...] = idx48.astype(jnp.int32)
    w_ref[...] = wgt[:, 0:_TAPS * _H]


def _c_body(g0_ref, g1_ref, g2_ref, g3_ref, w_ref, b2_ref, out_ref):
    w = w_ref[...]
    b2 = b2_ref[...]
    g_refs = (g0_ref, g1_ref, g2_ref, g3_ref)
    acc = jnp.zeros((_BSC, _PW), jnp.float32)
    for p in range(_P):
        wbc = jnp.dot(w, b2[:, p * _PW:(p + 1) * _PW],
                      preferred_element_type=jnp.float32, precision=_HIGH)
        acc = acc + g_refs[p][...] * wbc
    out_ref[...] = acc[:, 0:_Dh] + acc[:, _Dh:_PW]


def _o_body(in_ref, wo_ref, bo_ref, out_ref):
    out_ref[...] = (
        jnp.dot(in_ref[...], wo_ref[...], preferred_element_type=jnp.float32)
        + bo_ref[...]
    )


def _sc_gather_body(v_hbm, idx_hbm, out_hbm, idxv, vrows, sidx, sg, sout):
    nc = 2
    wid = lax.axis_index("s") * nc + lax.axis_index("c")
    ngath = _CHUNK // 128

    def e0(ci):
        return pl.multiple_of(wid * _EPW + ci * _CHUNK, _CHUNK)

    def idx_copy(ci, k):
        return pltpu.make_async_copy(idx_hbm.at[pl.ds(e0(ci), _CHUNK)],
                                     idxv.at[k], sidx.at[k])

    def gather_copies(k):
        return [
            pltpu.make_async_copy(
                v_hbm.at[idxv.at[k, pl.ds(j * 128, 128)]],
                vrows.at[k, pl.ds(j * 128, 128)], sg.at[k])
            for j in range(ngath)
        ]

    def out_copy(ci, k):
        return pltpu.make_async_copy(
            vrows.at[k],
            out_hbm.at[pl.ds(e0(ci), _CHUNK)], sout.at[k])

    idx_copy(0, 0).start()
    idx_copy(1, 1).start()
    idx_copy(0, 0).wait()
    for cp in gather_copies(0):
        cp.start()

    def chunk_body(ci, carry):
        k = ci % 2
        kn = (ci + 1) % 2

        for cp in gather_copies(k):
            cp.wait()
        out_copy(ci, k).start()

        @pl.when(ci + 2 < _NCHUNK)
        def _():
            idx_copy(ci + 2, k).start()

        @pl.when(ci + 1 < _NCHUNK)
        def _():
            idx_copy(ci + 1, kn).wait()

            @pl.when(ci >= 1)
            def _():
                out_copy(ci - 1, kn).wait()

            for cp in gather_copies(kn):
                cp.start()
        return carry

    lax.fori_loop(0, _NCHUNK, chunk_body, 0)

    out_copy(_NCHUNK - 2, (_NCHUNK - 2) % 2).wait()
    out_copy(_NCHUNK - 1, (_NCHUNK - 1) % 2).wait()


@functools.cache
def _make_sc_gather():
    return pl.kernel(
        _sc_gather_body,
        out_type=jax.ShapeDtypeStruct((_E, _PW), jnp.float32),
        mesh=plsc.VectorSubcoreMesh(core_axis_name="c", subcore_axis_name="s"),
        compiler_params=pltpu.CompilerParams(needs_layout_passes=False),
        scratch_types=[
            pltpu.VMEM((2, _CHUNK), jnp.int32),
            pltpu.VMEM((2, _CHUNK, _PW), jnp.float32),
            pltpu.SemaphoreType.DMA((2,)),
            pltpu.SemaphoreType.DMA((2,)),
            pltpu.SemaphoreType.DMA((2,)),
        ],
    )


def _sc_gather(vtab, idx_flat):
    return _make_sc_gather()(vtab, idx_flat)


def kernel(x, prev_x, time_embed, g_qin, b_qin, g_mem, b_mem, Wq, bq, Wv, bv,
           Wref, bref, Wd, bd, Ww, bw, Wo, bo):
    f32 = jnp.float32

    wr128 = jnp.pad(jnp.repeat(Wref, _TAPS, axis=1), ((0, 0), (0, 32)))
    wd128 = jnp.pad(
        jnp.repeat(Wd.reshape(_INNER, _H, _P), 2, axis=2).reshape(_INNER, 96),
        ((0, 0), (0, 32)))
    ww128 = jnp.pad(
        jnp.repeat(Ww.reshape(_INNER, _H, _P), 2, axis=2).reshape(_INNER, 96),
        ((0, 0), (0, 32)))
    w_heads = jnp.concatenate([wr128, wd128, ww128], axis=1)
    br128 = jnp.pad(jnp.repeat(bref, _TAPS), (0, 32))
    bd128 = jnp.pad(jnp.repeat(bd.reshape(_H, _P), 2, axis=1).reshape(96), (0, 32))
    bw128 = jnp.pad(jnp.repeat(bw.reshape(_H, _P), 2, axis=1).reshape(96), (0, 32))
    b_heads = jnp.concatenate([br128, bd128, bw128]).reshape(1, 384)
    cc = jnp.arange(128)
    gmat = (((cc[:, None] // _TAPS) == (cc[None, :] // _TAPS))
            & (cc[:, None] % 2 == 0)
            & (cc[:, None] < 96) & (cc[None, :] < 96)).astype(f32)
    jj = (cc // _TAPS) * _P + (cc % _TAPS) // 2
    sel = ((jj[:, None] == jnp.arange(_P * _H)[None, :])
           & (cc[:, None] % 2 == 0) & (cc[:, None] < 96)).astype(f32)
    c5 = jnp.arange(_TAPS * _Dh)
    b2 = (jnp.arange(_TAPS)[:, None]
          == 2 * (c5 // 128) + (c5 % 128) // _Dh).astype(f32)

    mem_cat = jnp.concatenate([prev_x, x], axis=1).reshape(_B * _LM, _D)
    te = time_embed.reshape(2, _D)
    nvb = (_B * _LM) // _BSV

    v2d = pl.pallas_call(
        _v_body,
        grid=(nvb,),
        in_specs=[
            pl.BlockSpec((_BSV, _D), lambda i: (i, 0)),
            pl.BlockSpec((1, 1, _D), lambda i: ((i * _BSV % _LM) // _N, 0, 0)),
            pl.BlockSpec((1, _D), lambda i: (0, 0)),
            pl.BlockSpec((1, _D), lambda i: (0, 0)),
            pl.BlockSpec((_D, _INNER), lambda i: (0, 0)),
            pl.BlockSpec((1, _INNER), lambda i: (0, 0)),
        ],
        out_specs=pl.BlockSpec((_BSV, _INNER), lambda i: (i, 0)),
        out_shape=jax.ShapeDtypeStruct((_B * _LM, _INNER), f32),
    )(mem_cat, te.reshape(2, 1, _D), g_mem.reshape(1, _D), b_mem.reshape(1, _D),
      Wv, bv.reshape(1, _INNER))
    nqb = _N // _BSQ
    idx2d, w2d = pl.pallas_call(
        _q_body,
        grid=(_B, nqb),
        in_specs=[
            pl.BlockSpec((1, _BSQ, _D), lambda b, i: (b, i, 0)),
            pl.BlockSpec((1, _BSQ, _D), lambda b, i: (b, i, 0)),
            pl.BlockSpec((2, _D), lambda b, i: (0, 0)),
            pl.BlockSpec((1, 2 * _D), lambda b, i: (0, 0)),
            pl.BlockSpec((1, 2 * _D), lambda b, i: (0, 0)),
            pl.BlockSpec((2 * _D, _INNER), lambda b, i: (0, 0)),
            pl.BlockSpec((1, _INNER), lambda b, i: (0, 0)),
            pl.BlockSpec((_INNER, 384), lambda b, i: (0, 0)),
            pl.BlockSpec((1, 384), lambda b, i: (0, 0)),
            pl.BlockSpec((128, 128), lambda b, i: (0, 0)),
            pl.BlockSpec((128, _P * _H), lambda b, i: (0, 0)),
        ],
        out_specs=[
            pl.BlockSpec((_BSQ, _P * _H), lambda b, i: (b * nqb + i, 0)),
            pl.BlockSpec((_BSQ, _TAPS * _H), lambda b, i: (b * nqb + i, 0)),
        ],
        out_shape=[
            jax.ShapeDtypeStruct((_B * _N, _P * _H), jnp.int32),
            jax.ShapeDtypeStruct((_B * _N, _TAPS * _H), f32),
        ],
    )(x, prev_x, te, g_qin.reshape(1, 2 * _D), b_qin.reshape(1, 2 * _D), Wq,
      bq.reshape(1, _INNER), w_heads, b_heads, gmat, sel)

    v4 = v2d.reshape(_B, _LM, _H, _Dh)
    v4n = jnp.concatenate([v4[:, 1:], v4[:, -1:]], axis=1)
    table2 = jnp.concatenate([v4, v4n], axis=-1).reshape(_B * _LM * _H, _PW)

    idx_t = idx2d.reshape(_B * _N, _H, _P).transpose(2, 0, 1).reshape(-1)
    gout = _sc_gather(table2, idx_t)
    w3 = w2d.reshape(_B * _N * _H, _TAPS)

    rows = _B * _N * _H
    ncb = rows // _BSC
    inner = pl.pallas_call(
        _c_body,
        grid=(ncb,),
        in_specs=[
            pl.BlockSpec((_BSC, _PW), lambda i: (0 * ncb + i, 0)),
            pl.BlockSpec((_BSC, _PW), lambda i: (1 * ncb + i, 0)),
            pl.BlockSpec((_BSC, _PW), lambda i: (2 * ncb + i, 0)),
            pl.BlockSpec((_BSC, _PW), lambda i: (3 * ncb + i, 0)),
            pl.BlockSpec((_BSC, _TAPS), lambda i: (i, 0)),
            pl.BlockSpec((_TAPS, _TAPS * _Dh), lambda i: (0, 0)),
        ],
        out_specs=pl.BlockSpec((_BSC, _Dh), lambda i: (i, 0)),
        out_shape=jax.ShapeDtypeStruct((rows, _Dh), f32),
    )(gout, gout, gout, gout, w3, b2)

    nob = (_B * _N) // _BSO
    out2d = pl.pallas_call(
        _o_body,
        grid=(nob,),
        in_specs=[
            pl.BlockSpec((_BSO, _INNER), lambda i: (i, 0)),
            pl.BlockSpec((_INNER, _D), lambda i: (0, 0)),
            pl.BlockSpec((1, _D), lambda i: (0, 0)),
        ],
        out_specs=pl.BlockSpec((_BSO, _D), lambda i: (i, 0)),
        out_shape=jax.ShapeDtypeStruct((_B * _N, _D), f32),
    )(inner.reshape(_B * _N, _INNER), Wo, bo.reshape(1, _D))

    return out2d.reshape(_B, _N, _D)

# --- scband reference (transcript-rebuilt; emitter-appended) ---
"""Pipeline reference for scband-deformable-attention1-d-63556926046317 (READ-ONLY COPY).

The authoritative reference and input builder live on the scoring server;
editing this copy changes nothing except your own understanding.
"""

import jax, jax.numpy as jnp
import numpy as np

B, N, D = 2, 8192, 768
H, Dh, P = 12, 64, 4
INNER = H * Dh
MAX_OFFSET = 4.0


def _ln(x, g, b, eps=1e-5):
    m = x.mean(-1, keepdims=True)
    v = ((x - m) ** 2).mean(-1, keepdims=True)
    return (x - m) / jnp.sqrt(v + eps) * g + b


def setup_inputs(seed: int = 0) -> dict:
    key = jax.random.key(seed)
    ks = jax.random.split(key, 16)
    inp = {}
    inp['x'] = jax.random.normal(ks[0], (B, N, D), jnp.float32)
    inp['prev_x'] = jax.random.normal(ks[1], (B, N, D), jnp.float32)
    inp['time_embed'] = jax.random.normal(ks[2], (2, D), jnp.float32) * 0.001
    inp['g_qin'] = jnp.ones((2 * D,), jnp.float32)
    inp['b_qin'] = jnp.zeros((2 * D,), jnp.float32)
    inp['g_mem'] = jnp.ones((D,), jnp.float32)
    inp['b_mem'] = jnp.zeros((D,), jnp.float32)
    inp['Wq'] = jax.random.normal(ks[3], (2 * D, INNER), jnp.float32) * (1.0 / np.sqrt(2 * D))
    inp['bq'] = jnp.zeros((INNER,), jnp.float32)
    inp['Wv'] = jax.random.normal(ks[4], (D, INNER), jnp.float32) * (1.0 / np.sqrt(D))
    inp['bv'] = jnp.zeros((INNER,), jnp.float32)
    inp['Wref'] = jax.random.normal(ks[5], (INNER, H), jnp.float32) * 0.001
    inp['bref'] = jnp.zeros((H,), jnp.float32)
    inp['Wd'] = jax.random.normal(ks[6], (INNER, H * P), jnp.float32) * 0.001
    inp['bd'] = jax.random.normal(ks[7], (H * P,), jnp.float32) * 0.001
    inp['Ww'] = jax.random.normal(ks[8], (INNER, H * P), jnp.float32) * 0.001
    inp['bw'] = jax.random.normal(ks[9], (H * P,), jnp.float32) * 0.001
    inp['Wo'] = jax.random.normal(ks[10], (INNER, D), jnp.float32) * 0.001
    inp['bo'] = jnp.zeros((D,), jnp.float32)
    return inp


def reference(x, prev_x, time_embed, g_qin, b_qin, g_mem, b_mem, Wq, bq, Wv, bv, Wref, bref, Wd, bd, Ww, bw, Wo, bo):
    x = x + time_embed[1]
    prev_x = prev_x + time_embed[0]
    q_in = _ln(jnp.concatenate([prev_x, x], axis=-1), g_qin, b_qin)
    mem = _ln(jnp.concatenate([prev_x, x], axis=1), g_mem, b_mem)
    q_flat = q_in @ Wq + bq  # (B, N, INNER)
    Lm = 2 * N
    v = (mem @ Wv + bv).reshape(B, Lm, H, Dh).transpose(0, 2, 1, 3)  # (B, H, Lm, Dh)
    ref = jax.nn.sigmoid(q_flat @ Wref + bref)  # (B, N, H)
    delta = (q_flat @ Wd + bd).reshape(B, N, H, P)
    attn = jax.nn.softmax((q_flat @ Ww + bw).reshape(B, N, H, P), axis=-1)
    mid = (P - 1) / 2.0
    base = (jnp.arange(P, dtype=jnp.float32) - mid).reshape(1, 1, 1, P)
    ref_idx = ref * (Lm - 1)
    pos = ref_idx[..., None] + base + jnp.tanh(delta) * MAX_OFFSET
    pos = jnp.nan_to_num(pos, nan=0.0, posinf=Lm - 1.0, neginf=0.0)
    valid = (pos >= 0.0) & (pos <= Lm - 1.0)
    attn = jnp.where(valid, attn, 0.0)
    attn = attn / (attn.sum(-1, keepdims=True) + 1e-6)
    pos = jnp.clip(pos, 0.0, float(Lm - 1))
    left = jnp.floor(pos).astype(jnp.int32)
    right = jnp.minimum(left + 1, Lm - 1)
    frac = pos - left.astype(jnp.float32)
    left_ph = left.transpose(0, 2, 1, 3).reshape(B, H, N * P, 1)
    right_ph = right.transpose(0, 2, 1, 3).reshape(B, H, N * P, 1)
    vL = jnp.take_along_axis(v, left_ph, axis=2).reshape(B, H, N, P, Dh)
    vR = jnp.take_along_axis(v, right_ph, axis=2).reshape(B, H, N, P, Dh)
    frac_ph = frac.transpose(0, 2, 1, 3)[..., None]
    sampled = (1.0 - frac_ph) * vL + frac_ph * vR  # (B, H, N, P, Dh)
    sampled = sampled.transpose(0, 2, 1, 3, 4)  # (B, N, H, P, Dh)
    out = (attn[..., None] * sampled).sum(axis=3).reshape(B, N, INNER)
    return out @ Wo + bo

if __name__ == "__main__":
    import jax
    _d = setup_inputs()
    print(jax.jit(kernel)(*tuple(_d.values())))

</pallas_src>

<mosaic_0001>
#map = affine_map<(d0, d1) -> (0, 0)>
#map1 = affine_map<(d0, d1) -> (0)>
module attributes {stable_mosaic.version = 14 : i64} {
  func.func @_sc_gather_body(%arg0: i32, %arg1: i32, %arg2: memref<393216x128xf32, #tpu.memory_space<hbm>>, %arg3: memref<786432xi32, #tpu.memory_space<hbm>>, %arg4: memref<786432x128xf32, #tpu.memory_space<hbm>>, %arg5: memref<2x256xi32, #tpu.memory_space<vmem>>, %arg6: memref<2x256x128xf32, #tpu.memory_space<vmem>>, %arg7: memref<2x!tpu.dma_semaphore, #tpu.memory_space<semaphore_mem>>, %arg8: memref<2x!tpu.dma_semaphore, #tpu.memory_space<semaphore_mem>>, %arg9: memref<2x!tpu.dma_semaphore, #tpu.memory_space<semaphore_mem>>) attributes {dimension_semantics = [#tpu.dimension_semantics<core_parallel>, #tpu.dimension_semantics<subcore_parallel>], iteration_bounds = array<i64: 2, 16>, scalar_prefetch = 0 : i64, scratch_operands = 5 : i64, tpu.core_type = #tpu.core_type<sc_vector_subcore>, window_params = [{transform_indices = #map}, {transform_indices = #map1}, {transform_indices = #map}]} {
    %mul3A = arith.constant 2 : i32
    %mul3A_0 = arith.muli %arg1, %mul3A : i32
    %add3A = arith.addi %mul3A_0, %arg0 : i32
    %mul3A_1 = arith.constant 24576 : i32
    %mul3A_2 = arith.muli %add3A, %mul3A_1 : i32
    %add3A_3 = arith.constant 0 : i32
    %add3A_4 = arith.addi %mul3A_2, %add3A_3 : i32
    %multiple_of3A = tpu.assume_multiple %add3A_4, 256 : i32
    %dma_start3A = arith.constant 0 : i32
    %dma_start3A_5 = arith.constant 0 : i32
    %dma_start3A_6 = arith.constant 0 : i32
    %dma_start3A_7 = tpu.memref_slice %arg5[%dma_start3A, %dma_start3A_6] : memref<2x256xi32, #tpu.memory_space<vmem>> -> memref<1x256xi32, #tpu.memory_space<vmem>>
    %dma_start3A_8 = tpu.memref_squeeze %dma_start3A_7 : memref<1x256xi32, #tpu.memory_space<vmem>> -> memref<256xi32, #tpu.memory_space<vmem>>
    %dma_start3A_9 = tpu.memref_slice %arg3[%multiple_of3A] : memref<786432xi32, #tpu.memory_space<hbm>> -> memref<256xi32, #tpu.memory_space<hbm>>
    %dma_start3A_10 = tpu.memref_slice %arg7[%dma_start3A_5] : memref<2x!tpu.dma_semaphore, #tpu.memory_space<semaphore_mem>> -> memref<1x!tpu.dma_semaphore, #tpu.memory_space<semaphore_mem>>
    %dma_start3A_11 = tpu.memref_squeeze %dma_start3A_10 : memref<1x!tpu.dma_semaphore, #tpu.memory_space<semaphore_mem>> -> memref<!tpu.dma_semaphore, #tpu.memory_space<semaphore_mem>>
    %dma_start3A_12 = arith.constant 0 : i32
    %dma_start3A_13 = tpu.memref_slice %arg5[%dma_start3A, %dma_start3A_12] : memref<2x256xi32, #tpu.memory_space<vmem>> -> memref<1x256xi32, #tpu.memory_space<vmem>>
    %dma_start3A_14 = tpu.memref_squeeze %dma_start3A_13 : memref<1x256xi32, #tpu.memory_space<vmem>> -> memref<256xi32, #tpu.memory_space<vmem>>
    %dma_start3A_15 = tpu.memref_slice %arg3[%multiple_of3A] : memref<786432xi32, #tpu.memory_space<hbm>> -> memref<256xi32, #tpu.memory_space<hbm>>
    tpu.enqueue_dma source(%dma_start3A_15 : memref<256xi32, #tpu.memory_space<hbm>>) target(%dma_start3A_14 : memref<256xi32, #tpu.memory_space<vmem>>) target_semaphore(%dma_start3A_11 : memref<!tpu.dma_semaphore, #tpu.memory_space<semaphore_mem>>)
    %mul3A_16 = arith.constant 24576 : i32
    %mul3A_17 = arith.muli %add3A, %mul3A_16 : i32
    %add3A_18 = arith.constant 256 : i32
    %add3A_19 = arith.addi %mul3A_17, %add3A_18 : i32
    %multiple_of3A_20 = tpu.assume_multiple %add3A_19, 256 : i32
    %dma_start3A_21 = arith.constant 1 : i32
    %dma_start3A_22 = arith.constant 1 : i32
    %dma_start3A_23 = arith.constant 0 : i32
    %dma_start3A_24 = tpu.memref_slice %arg5[%dma_start3A_21, %dma_start3A_23] : memref<2x256xi32, #tpu.memory_space<vmem>> -> memref<1x256xi32, #tpu.memory_space<vmem>>
    %dma_start3A_25 = tpu.memref_squeeze %dma_start3A_24 : memref<1x256xi32, #tpu.memory_space<vmem>> -> memref<256xi32, #tpu.memory_space<vmem>>
    %dma_start3A_26 = tpu.memref_slice %arg3[%multiple_of3A_20] : memref<786432xi32, #tpu.memory_space<hbm>> -> memref<256xi32, #tpu.memory_space<hbm>>
    %dma_start3A_27 = tpu.memref_slice %arg7[%dma_start3A_22] : memref<2x!tpu.dma_semaphore, #tpu.memory_space<semaphore_mem>> -> memref<1x!tpu.dma_semaphore, #tpu.memory_space<semaphore_mem>>
    %dma_start3A_28 = tpu.memref_squeeze %dma_start3A_27 : memref<1x!tpu.dma_semaphore, #tpu.memory_space<semaphore_mem>> -> memref<!tpu.dma_semaphore, #tpu.memory_space<semaphore_mem>>
    %dma_start3A_29 = arith.constant 0 : i32
    %dma_start3A_30 = tpu.memref_slice %arg5[%dma_start3A_21, %dma_start3A_29] : memref<2x256xi32, #tpu.memory_space<vmem>> -> memref<1x256xi32, #tpu.memory_space<vmem>>
    %dma_start3A_31 = tpu.memref_squeeze %dma_start3A_30 : memref<1x256xi32, #tpu.memory_space<vmem>> -> memref<256xi32, #tpu.memory_space<vmem>>
    %dma_start3A_32 = tpu.memref_slice %arg3[%multiple_of3A_20] : memref<786432xi32, #tpu.memory_space<hbm>> -> memref<256xi32, #tpu.memory_space<hbm>>
    tpu.enqueue_dma source(%dma_start3A_32 : memref<256xi32, #tpu.memory_space<hbm>>) target(%dma_start3A_31 : memref<256xi32, #tpu.memory_space<vmem>>) target_semaphore(%dma_start3A_28 : memref<!tpu.dma_semaphore, #tpu.memory_space<semaphore_mem>>)
    %mul3A_33 = arith.constant 24576 : i32
    %mul3A_34 = arith.muli %add3A, %mul3A_33 : i32
    %add3A_35 = arith.constant 0 : i32
    %add3A_36 = arith.addi %mul3A_34, %add3A_35 : i32
    %multiple_of3A_37 = tpu.assume_multiple %add3A_36, 256 : i32
    %dma_wait3A = arith.constant 0 : i32
    %dma_wait3A_38 = arith.constant 0 : i32
    %dma_wait3A_39 = arith.constant 0 : i32
    %dma_wait3A_40 = tpu.memref_slice %arg5[%dma_wait3A, %dma_wait3A_39] : memref<2x256xi32, #tpu.memory_space<vmem>> -> memref<1x256xi32, #tpu.memory_space<vmem>>
    %dma_wait3A_41 = tpu.memref_squeeze %dma_wait3A_40 : memref<1x256xi32, #tpu.memory_space<vmem>> -> memref<256xi32, #tpu.memory_space<vmem>>
    %dma_wait3A_42 = tpu.memref_slice %arg3[%multiple_of3A_37] : memref<786432xi32, #tpu.memory_space<hbm>> -> memref<256xi32, #tpu.memory_space<hbm>>
    %dma_wait3A_43 = tpu.memref_slice %arg7[%dma_wait3A_38] : memref<2x!tpu.dma_semaphore, #tpu.memory_space<semaphore_mem>> -> memref<1x!tpu.dma_semaphore, #tpu.memory_space<semaphore_mem>>
    %dma_wait3A_44 = tpu.memref_squeeze %dma_wait3A_43 : memref<1x!tpu.dma_semaphore, #tpu.memory_space<semaphore_mem>> -> memref<!tpu.dma_semaphore, #tpu.memory_space<semaphore_mem>>
    %dma_wait3A_45 = arith.constant 0 : i32
    %dma_wait3A_46 = tpu.memref_slice %arg5[%dma_wait3A, %dma_wait3A_45] : memref<2x256xi32, #tpu.memory_space<vmem>> -> memref<1x256xi32, #tpu.memory_space<vmem>>
    %dma_wait3A_47 = tpu.memref_squeeze %dma_wait3A_46 : memref<1x256xi32, #tpu.memory_space<vmem>> -> memref<256xi32, #tpu.memory_space<vmem>>
    %dma_wait3A_48 = tpu.memref_slice %arg3[%multiple_of3A_37] : memref<786432xi32, #tpu.memory_space<hbm>> -> memref<256xi32, #tpu.memory_space<hbm>>
    tpu.wait_dma2 semaphore(%dma_wait3A_44 : memref<!tpu.dma_semaphore, #tpu.memory_space<semaphore_mem>>) src(%dma_wait3A_48 : memref<256xi32, #tpu.memory_space<hbm>>) dst(%dma_wait3A_47 : memref<256xi32, #tpu.memory_space<vmem>>)
    %dma_start3A_49 = arith.constant 0 : i32
    %dma_start3A_50 = arith.constant 0 : i32
    %dma_start3A_51 = arith.constant 0 : i32
    %dma_start3A_52 = arith.constant 0 : i32
    %dma_start3A_53 = arith.constant 0 : i32
    %dma_start3A_54 = tpu.memref_slice %arg6[%dma_start3A_50, %dma_start3A_52, %dma_start3A_53] : memref<2x256x128xf32, #tpu.memory_space<vmem>> -> memref<1x128x128xf32, #tpu.memory_space<vmem>>
    %dma_start3A_55 = tpu.memref_squeeze %dma_start3A_54 : memref<1x128x128xf32, #tpu.memory_space<vmem>> -> memref<128x128xf32, #tpu.memory_space<vmem>>
    %dma_start3A_56 = arith.constant 0 : i32
    %dma_start3A_57 = tpu.memref_slice %arg5[%dma_start3A_49, %dma_start3A_56] : memref<2x256xi32, #tpu.memory_space<vmem>> -> memref<1x128xi32, #tpu.memory_space<vmem>>
    %dma_start3A_58 = tpu.memref_squeeze %dma_start3A_57 : memref<1x128xi32, #tpu.memory_space<vmem>> -> memref<128xi32, #tpu.memory_space<vmem>>
    %dma_start3A_59 = arith.constant 0 : i32
    %dma_start3A_60 = arith.constant 0 : i32
    %dma_start3A_61 = tpu.memref_slice %arg2[%dma_start3A_59, %dma_start3A_60] : memref<393216x128xf32, #tpu.memory_space<hbm>> -> memref<393216x128xf32, #tpu.memory_space<hbm>>
    %dma_start3A_62 = tpu.memref_slice %arg8[%dma_start3A_51] : memref<2x!tpu.dma_semaphore, #tpu.memory_space<semaphore_mem>> -> memref<1x!tpu.dma_semaphore, #tpu.memory_space<semaphore_mem>>
    %dma_start3A_63 = tpu.memref_squeeze %dma_start3A_62 : memref<1x!tpu.dma_semaphore, #tpu.memory_space<semaphore_mem>> -> memref<!tpu.dma_semaphore, #tpu.memory_space<semaphore_mem>>
    tpu.enqueue_indirect_dma source(%dma_start3A_61 : memref<393216x128xf32, #tpu.memory_space<hbm>>) target(%dma_start3A_55 : memref<128x128xf32, #tpu.memory_space<vmem>>) offsets(%dma_start3A_58 : memref<128xi32, #tpu.memory_space<vmem>>) semaphore(%dma_start3A_63 : memref<!tpu.dma_semaphore, #tpu.memory_space<semaphore_mem>>)
    %dma_start3A_64 = arith.constant 0 : i32
    %dma_start3A_65 = arith.constant 0 : i32
    %dma_start3A_66 = arith.constant 0 : i32
    %dma_start3A_67 = arith.constant 128 : i32
    %dma_start3A_68 = arith.constant 0 : i32
    %dma_start3A_69 = tpu.memref_slice %arg6[%dma_start3A_65, %dma_start3A_67, %dma_start3A_68] : memref<2x256x128xf32, #tpu.memory_space<vmem>> -> memref<1x128x128xf32, #tpu.memory_space<vmem>>
    %dma_start3A_70 = tpu.memref_squeeze %dma_start3A_69 : memref<1x128x128xf32, #tpu.memory_space<vmem>> -> memref<128x128xf32, #tpu.memory_space<vmem>>
    %dma_start3A_71 = arith.constant 128 : i32
    %dma_start3A_72 = tpu.memref_slice %arg5[%dma_start3A_64, %dma_start3A_71] : memref<2x256xi32, #tpu.memory_space<vmem>> -> memref<1x128xi32, #tpu.memory_space<vmem>>
    %dma_start3A_73 = tpu.memref_squeeze %dma_start3A_72 : memref<1x128xi32, #tpu.memory_space<vmem>> -> memref<128xi32, #tpu.memory_space<vmem>>
    %dma_start3A_74 = arith.constant 0 : i32
    %dma_start3A_75 = arith.constant 0 : i32
    %dma_start3A_76 = tpu.memref_slice %arg2[%dma_start3A_74, %dma_start3A_75] : memref<393216x128xf32, #tpu.memory_space<hbm>> -> memref<393216x128xf32, #tpu.memory_space<hbm>>
    %dma_start3A_77 = tpu.memref_slice %arg8[%dma_start3A_66] : memref<2x!tpu.dma_semaphore, #tpu.memory_space<semaphore_mem>> -> memref<1x!tpu.dma_semaphore, #tpu.memory_space<semaphore_mem>>
    %dma_start3A_78 = tpu.memref_squeeze %dma_start3A_77 : memref<1x!tpu.dma_semaphore, #tpu.memory_space<semaphore_mem>> -> memref<!tpu.dma_semaphore, #tpu.memory_space<semaphore_mem>>
    tpu.enqueue_indirect_dma source(%dma_start3A_76 : memref<393216x128xf32, #tpu.memory_space<hbm>>) target(%dma_start3A_70 : memref<128x128xf32, #tpu.memory_space<vmem>>) offsets(%dma_start3A_73 : memref<128xi32, #tpu.memory_space<vmem>>) semaphore(%dma_start3A_78 : memref<!tpu.dma_semaphore, #tpu.memory_space<semaphore_mem>>)
    %scan3A = arith.constant 0 : i32
    %scan3A_79 = arith.constant 0 : i32
    %scan3A_80 = arith.constant 96 : i32
    %scan3A_81 = arith.addi %scan3A_79, %scan3A_80 : i32
    %scan3A_82 = arith.constant 1 : i32
    scf.for %scan3A_126 = %scan3A_79 to %scan3A_81 step %scan3A_82  : i32 {
      %jit3A = arith.constant 2 : i32
      %eq3A = arith.constant 0 : i32
      %eq3A_127 = arith.cmpi eq, %jit3A, %eq3A : i32
      %jit3A_128 = arith.constant 1 : i32
      %select_n3A = arith.select %eq3A_127, %jit3A_128, %jit3A : i32
      %rem3A = arith.remsi %scan3A_126, %select_n3A : i32
      %ne3A = arith.constant 0 : i32
      %ne3A_129 = arith.cmpi ne, %rem3A, %ne3A : i32
      %lt3A = arith.constant 0 : i32
      %lt3A_130 = arith.cmpi slt, %rem3A, %lt3A : i32
      %lt3A_131 = arith.constant 0 : i32
      %lt3A_132 = arith.cmpi slt, %select_n3A, %lt3A_131 : i32
      %ne3A_133 = arith.xori %lt3A_130, %lt3A_132 : i1
      %and3A = arith.andi %ne3A_133, %ne3A_129 : i1
      %add3A_134 = arith.addi %rem3A, %select_n3A : i32
      %select_n3A_135 = arith.select %and3A, %add3A_134, %rem3A : i32
      %add3A_136 = arith.constant 1 : i32
      %add3A_137 = arith.addi %scan3A_126, %add3A_136 : i32
      %jit3A_138 = arith.constant 2 : i32
      %eq3A_139 = arith.constant 0 : i32
      %eq3A_140 = arith.cmpi eq, %jit3A_138, %eq3A_139 : i32
      %jit3A_141 = arith.constant 1 : i32
      %select_n3A_142 = arith.select %eq3A_140, %jit3A_141, %jit3A_138 : i32
      %rem3A_143 = arith.remsi %add3A_137, %select_n3A_142 : i32
      %ne3A_144 = arith.constant 0 : i32
      %ne3A_145 = arith.cmpi ne, %rem3A_143, %ne3A_144 : i32
      %lt3A_146 = arith.constant 0 : i32
      %lt3A_147 = arith.cmpi slt, %rem3A_143, %lt3A_146 : i32
      %lt3A_148 = arith.constant 0 : i32
      %lt3A_149 = arith.cmpi slt, %select_n3A_142, %lt3A_148 : i32
      %ne3A_150 = arith.xori %lt3A_147, %lt3A_149 : i1
      %and3A_151 = arith.andi %ne3A_150, %ne3A_145 : i1
      %add3A_152 = arith.addi %rem3A_143, %select_n3A_142 : i32
      %select_n3A_153 = arith.select %and3A_151, %add3A_152, %rem3A_143 : i32
      %dma_wait3A_154 = arith.constant 0 : i32
      %dma_wait3A_155 = arith.constant 0 : i32
      %dma_wait3A_156 = tpu.memref_slice %arg6[%select_n3A_135, %dma_wait3A_154, %dma_wait3A_155] : memref<2x256x128xf32, #tpu.memory_space<vmem>> -> memref<1x128x128xf32, #tpu.memory_space<vmem>>
      %dma_wait3A_157 = tpu.memref_squeeze %dma_wait3A_156 : memref<1x128x128xf32, #tpu.memory_space<vmem>> -> memref<128x128xf32, #tpu.memory_space<vmem>>
      %dma_wait3A_158 = arith.constant 0 : i32
      %dma_wait3A_159 = tpu.memref_slice %arg5[%select_n3A_135, %dma_wait3A_158] : memref<2x256xi32, #tpu.memory_space<vmem>> -> memref<1x128xi32, #tpu.memory_space<vmem>>
      %dma_wait3A_160 = tpu.memref_squeeze %dma_wait3A_159 : memref<1x128xi32, #tpu.memory_space<vmem>> -> memref<128xi32, #tpu.memory_space<vmem>>
      %dma_wait3A_161 = arith.constant 0 : i32
      %dma_wait3A_162 = arith.constant 0 : i32
      %dma_wait3A_163 = tpu.memref_slice %arg2[%dma_wait3A_161, %dma_wait3A_162] : memref<393216x128xf32, #tpu.memory_space<hbm>> -> memref<393216x128xf32, #tpu.memory_space<hbm>>
      %dma_wait3A_164 = tpu.memref_slice %arg8[%select_n3A_135] : memref<2x!tpu.dma_semaphore, #tpu.memory_space<semaphore_mem>> -> memref<1x!tpu.dma_semaphore, #tpu.memory_space<semaphore_mem>>
      %dma_wait3A_165 = tpu.memref_squeeze %dma_wait3A_164 : memref<1x!tpu.dma_semaphore, #tpu.memory_space<semaphore_mem>> -> memref<!tpu.dma_semaphore, #tpu.memory_space<semaphore_mem>>
      tpu.wait_indirect_dma semaphore(%dma_wait3A_165 : memref<!tpu.dma_semaphore, #tpu.memory_space<semaphore_mem>>) src(%dma_wait3A_163 : memref<393216x128xf32, #tpu.memory_space<hbm>>) dst(%dma_wait3A_157 : memref<128x128xf32, #tpu.memory_space<vmem>>)
      %dma_wait3A_166 = arith.constant 128 : i32
      %dma_wait3A_167 = arith.constant 0 : i32
      %dma_wait3A_168 = tpu.memref_slice %arg6[%select_n3A_135, %dma_wait3A_166, %dma_wait3A_167] : memref<2x256x128xf32, #tpu.memory_space<vmem>> -> memref<1x128x128xf32, #tpu.memory_space<vmem>>
      %dma_wait3A_169 = tpu.memref_squeeze %dma_wait3A_168 : memref<1x128x128xf32, #tpu.memory_space<vmem>> -> memref<128x128xf32, #tpu.memory_space<vmem>>
      %dma_wait3A_170 = arith.constant 128 : i32
      %dma_wait3A_171 = tpu.memref_slice %arg5[%select_n3A_135, %dma_wait3A_170] : memref<2x256xi32, #tpu.memory_space<vmem>> -> memref<1x128xi32, #tpu.memory_space<vmem>>
      %dma_wait3A_172 = tpu.memref_squeeze %dma_wait3A_171 : memref<1x128xi32, #tpu.memory_space<vmem>> -> memref<128xi32, #tpu.memory_space<vmem>>
      %dma_wait3A_173 = arith.constant 0 : i32
      %dma_wait3A_174 = arith.constant 0 : i32
      %dma_wait3A_175 = tpu.memref_slice %arg2[%dma_wait3A_173, %dma_wait3A_174] : memref<393216x128xf32, #tpu.memory_space<hbm>> -> memref<393216x128xf32, #tpu.memory_space<hbm>>
      %dma_wait3A_176 = tpu.memref_slice %arg8[%select_n3A_135] : memref<2x!tpu.dma_semaphore, #tpu.memory_space<semaphore_mem>> -> memref<1x!tpu.dma_semaphore, #tpu.memory_space<semaphore_mem>>
      %dma_wait3A_177 = tpu.memref_squeeze %dma_wait3A_176 : memref<1x!tpu.dma_semaphore, #tpu.memory_space<semaphore_mem>> -> memref<!tpu.dma_semaphore, #tpu.memory_space<semaphore_mem>>
      tpu.wait_indirect_dma semaphore(%dma_wait3A_177 : memref<!tpu.dma_semaphore, #tpu.memory_space<semaphore_mem>>) src(%dma_wait3A_175 : memref<393216x128xf32, #tpu.memory_space<hbm>>) dst(%dma_wait3A_169 : memref<128x128xf32, #tpu.memory_space<vmem>>)
      %mul3A_178 = arith.constant 24576 : i32
      %mul3A_179 = arith.muli %add3A, %mul3A_178 : i32
      %mul3A_180 = arith.constant 256 : i32
      %mul3A_181 = arith.muli %scan3A_126, %mul3A_180 : i32
      %add3A_182 = arith.addi %mul3A_179, %mul3A_181 : i32
      %multiple_of3A_183 = tpu.assume_multiple %add3A_182, 256 : i32
      %dma_start3A_184 = arith.constant 0 : i32
      %dma_start3A_185 = arith.constant 0 : i32
      %dma_start3A_186 = tpu.memref_slice %arg6[%select_n3A_135, %dma_start3A_184, %dma_start3A_185] : memref<2x256x128xf32, #tpu.memory_space<vmem>> -> memref<1x256x128xf32, #tpu.memory_space<vmem>>
      %dma_start3A_187 = tpu.memref_squeeze %dma_start3A_186 : memref<1x256x128xf32, #tpu.memory_space<vmem>> -> memref<256x128xf32, #tpu.memory_space<vmem>>
      %dma_start3A_188 = arith.constant 0 : i32
      %dma_start3A_189 = tpu.memref_slice %arg4[%multiple_of3A_183, %dma_start3A_188] : memref<786432x128xf32, #tpu.memory_space<hbm>> -> memref<256x128xf32, #tpu.memory_space<hbm>>
      %dma_start3A_190 = tpu.memref_slice %arg9[%select_n3A_135] : memref<2x!tpu.dma_semaphore, #tpu.memory_space<semaphore_mem>> -> memref<1x!tpu.dma_semaphore, #tpu.memory_space<semaphore_mem>>
      %dma_start3A_191 = tpu.memref_squeeze %dma_start3A_190 : memref<1x!tpu.dma_semaphore, #tpu.memory_space<semaphore_mem>> -> memref<!tpu.dma_semaphore, #tpu.memory_space<semaphore_mem>>
      %dma_start3A_192 = arith.constant 0 : i32
      %dma_start3A_193 = tpu.memref_slice %arg4[%multiple_of3A_183, %dma_start3A_192] : memref<786432x128xf32, #tpu.memory_space<hbm>> -> memref<256x128xf32, #tpu.memory_space<hbm>>
      %dma_start3A_194 = arith.constant 0 : i32
      %dma_start3A_195 = arith.constant 0 : i32
      %dma_start3A_196 = tpu.memref_slice %arg6[%select_n3A_135, %dma_start3A_194, %dma_start3A_195] : memref<2x256x128xf32, #tpu.memory_space<vmem>> -> memref<1x256x128xf32, #tpu.memory_space<vmem>>
      %dma_start3A_197 = tpu.memref_squeeze %dma_start3A_196 : memref<1x256x128xf32, #tpu.memory_space<vmem>> -> memref<256x128xf32, #tpu.memory_space<vmem>>
      tpu.enqueue_dma source(%dma_start3A_197 : memref<256x128xf32, #tpu.memory_space<vmem>>) target(%dma_start3A_193 : memref<256x128xf32, #tpu.memory_space<hbm>>) target_semaphore(%dma_start3A_191 : memref<!tpu.dma_semaphore, #tpu.memory_space<semaphore_mem>>)
      %add3A_198 = arith.constant 2 : i32
      %add3A_199 = arith.addi %scan3A_126, %add3A_198 : i32
      %lt3A_200 = arith.constant 96 : i32
      %lt3A_201 = arith.cmpi slt, %add3A_199, %lt3A_200 : i32
      %convert_element_type3A = arith.extui %lt3A_201 : i1 to i32
      %cond3A = arith.constant 0 : i32
      %cond3A_202 = arith.cmpi ne, %convert_element_type3A, %cond3A : i32
      scf.if %cond3A_202 {
        %add3A_210 = arith.constant 2 : i32
        %add3A_211 = arith.addi %scan3A_126, %add3A_210 : i32
        %mul3A_212 = arith.constant 24576 : i32
        %mul3A_213 = arith.muli %add3A, %mul3A_212 : i32
        %mul3A_214 = arith.constant 256 : i32
        %mul3A_215 = arith.muli %add3A_211, %mul3A_214 : i32
        %add3A_216 = arith.addi %mul3A_213, %mul3A_215 : i32
        %multiple_of3A_217 = tpu.assume_multiple %add3A_216, 256 : i32
        %dma_start3A_218 = arith.constant 0 : i32
        %dma_start3A_219 = tpu.memref_slice %arg5[%select_n3A_135, %dma_start3A_218] : memref<2x256xi32, #tpu.memory_space<vmem>> -> memref<1x256xi32, #tpu.memory_space<vmem>>
        %dma_start3A_220 = tpu.memref_squeeze %dma_start3A_219 : memref<1x256xi32, #tpu.memory_space<vmem>> -> memref<256xi32, #tpu.memory_space<vmem>>
        %dma_start3A_221 = tpu.memref_slice %arg3[%multiple_of3A_217] : memref<786432xi32, #tpu.memory_space<hbm>> -> memref<256xi32, #tpu.memory_space<hbm>>
        %dma_start3A_222 = tpu.memref_slice %arg7[%select_n3A_135] : memref<2x!tpu.dma_semaphore, #tpu.memory_space<semaphore_mem>> -> memref<1x!tpu.dma_semaphore, #tpu.memory_space<semaphore_mem>>
        %dma_start3A_223 = tpu.memref_squeeze %dma_start3A_222 : memref<1x!tpu.dma_semaphore, #tpu.memory_space<semaphore_mem>> -> memref<!tpu.dma_semaphore, #tpu.memory_space<semaphore_mem>>
        %dma_start3A_224 = arith.constant 0 : i32
        %dma_start3A_225 = tpu.memref_slice %arg5[%select_n3A_135, %dma_start3A_224] : memref<2x256xi32, #tpu.memory_space<vmem>> -> memref<1x256xi32, #tpu.memory_space<vmem>>
        %dma_start3A_226 = tpu.memref_squeeze %dma_start3A_225 : memref<1x256xi32, #tpu.memory_space<vmem>> -> memref<256xi32, #tpu.memory_space<vmem>>
        %dma_start3A_227 = tpu.memref_slice %arg3[%multiple_of3A_217] : memref<786432xi32, #tpu.memory_space<hbm>> -> memref<256xi32, #tpu.memory_space<hbm>>
        tpu.enqueue_dma source(%dma_start3A_227 : memref<256xi32, #tpu.memory_space<hbm>>) target(%dma_start3A_226 : memref<256xi32, #tpu.memory_space<vmem>>) target_semaphore(%dma_start3A_223 : memref<!tpu.dma_semaphore, #tpu.memory_space<semaphore_mem>>)
      } else {
      }
      %add3A_203 = arith.constant 1 : i32
      %add3A_204 = arith.addi %scan3A_126, %add3A_203 : i32
      %lt3A_205 = arith.constant 96 : i32
      %lt3A_206 = arith.cmpi slt, %add3A_204, %lt3A_205 : i32
      %convert_element_type3A_207 = arith.extui %lt3A_206 : i1 to i32
      %cond3A_208 = arith.constant 0 : i32
      %cond3A_209 = arith.cmpi ne, %convert_element_type3A_207, %cond3A_208 : i32
      scf.if %cond3A_209 {
        %add3A_210 = arith.constant 1 : i32
        %add3A_211 = arith.addi %scan3A_126, %add3A_210 : i32
        %mul3A_212 = arith.constant 24576 : i32
        %mul3A_213 = arith.muli %add3A, %mul3A_212 : i32
        %mul3A_214 = arith.constant 256 : i32
        %mul3A_215 = arith.muli %add3A_211, %mul3A_214 : i32
        %add3A_216 = arith.addi %mul3A_213, %mul3A_215 : i32
        %multiple_of3A_217 = tpu.assume_multiple %add3A_216, 256 : i32
        %dma_wait3A_218 = arith.constant 0 : i32
        %dma_wait3A_219 = tpu.memref_slice %arg5[%select_n3A_153, %dma_wait3A_218] : memref<2x256xi32, #tpu.memory_space<vmem>> -> memref<1x256xi32, #tpu.memory_space<vmem>>
        %dma_wait3A_220 = tpu.memref_squeeze %dma_wait3A_219 : memref<1x256xi32, #tpu.memory_space<vmem>> -> memref<256xi32, #tpu.memory_space<vmem>>
        %dma_wait3A_221 = tpu.memref_slice %arg3[%multiple_of3A_217] : memref<786432xi32, #tpu.memory_space<hbm>> -> memref<256xi32, #tpu.memory_space<hbm>>
        %dma_wait3A_222 = tpu.memref_slice %arg7[%select_n3A_153] : memref<2x!tpu.dma_semaphore, #tpu.memory_space<semaphore_mem>> -> memref<1x!tpu.dma_semaphore, #tpu.memory_space<semaphore_mem>>
        %dma_wait3A_223 = tpu.memref_squeeze %dma_wait3A_222 : memref<1x!tpu.dma_semaphore, #tpu.memory_space<semaphore_mem>> -> memref<!tpu.dma_semaphore, #tpu.memory_space<semaphore_mem>>
        %dma_wait3A_224 = arith.constant 0 : i32
        %dma_wait3A_225 = tpu.memref_slice %arg5[%select_n3A_153, %dma_wait3A_224] : memref<2x256xi32, #tpu.memory_space<vmem>> -> memref<1x256xi32, #tpu.memory_space<vmem>>
        %dma_wait3A_226 = tpu.memref_squeeze %dma_wait3A_225 : memref<1x256xi32, #tpu.memory_space<vmem>> -> memref<256xi32, #tpu.memory_space<vmem>>
        %dma_wait3A_227 = tpu.memref_slice %arg3[%multiple_of3A_217] : memref<786432xi32, #tpu.memory_space<hbm>> -> memref<256xi32, #tpu.memory_space<hbm>>
        tpu.wait_dma2 semaphore(%dma_wait3A_223 : memref<!tpu.dma_semaphore, #tpu.memory_space<semaphore_mem>>) src(%dma_wait3A_227 : memref<256xi32, #tpu.memory_space<hbm>>) dst(%dma_wait3A_226 : memref<256xi32, #tpu.memory_space<vmem>>)
        %ge3A = arith.constant 1 : i32
        %ge3A_228 = arith.cmpi sge, %scan3A_126, %ge3A : i32
        %convert_element_type3A_229 = arith.extui %ge3A_228 : i1 to i32
        %cond3A_230 = arith.constant 0 : i32
        %cond3A_231 = arith.cmpi ne, %convert_element_type3A_229, %cond3A_230 : i32
        scf.if %cond3A_231 {
          %sub3A = arith.constant 1 : i32
          %sub3A_256 = arith.subi %scan3A_126, %sub3A : i32
          %mul3A_257 = arith.constant 24576 : i32
          %mul3A_258 = arith.muli %add3A, %mul3A_257 : i32
          %mul3A_259 = arith.constant 256 : i32
          %mul3A_260 = arith.muli %sub3A_256, %mul3A_259 : i32
          %add3A_261 = arith.addi %mul3A_258, %mul3A_260 : i32
          %multiple_of3A_262 = tpu.assume_multiple %add3A_261, 256 : i32
          %dma_wait3A_263 = arith.constant 0 : i32
          %dma_wait3A_264 = arith.constant 0 : i32
          %dma_wait3A_265 = tpu.memref_slice %arg6[%select_n3A_153, %dma_wait3A_263, %dma_wait3A_264] : memref<2x256x128xf32, #tpu.memory_space<vmem>> -> memref<1x256x128xf32, #tpu.memory_space<vmem>>
          %dma_wait3A_266 = tpu.memref_squeeze %dma_wait3A_265 : memref<1x256x128xf32, #tpu.memory_space<vmem>> -> memref<256x128xf32, #tpu.memory_space<vmem>>
          %dma_wait3A_267 = arith.constant 0 : i32
          %dma_wait3A_268 = tpu.memref_slice %arg4[%multiple_of3A_262, %dma_wait3A_267] : memref<786432x128xf32, #tpu.memory_space<hbm>> -> memref<256x128xf32, #tpu.memory_space<hbm>>
          %dma_wait3A_269 = tpu.memref_slice %arg9[%select_n3A_153] : memref<2x!tpu.dma_semaphore, #tpu.memory_space<semaphore_mem>> -> memref<1x!tpu.dma_semaphore, #tpu.memory_space<semaphore_mem>>
          %dma_wait3A_270 = tpu.memref_squeeze %dma_wait3A_269 : memref<1x!tpu.dma_semaphore, #tpu.memory_space<semaphore_mem>> -> memref<!tpu.dma_semaphore, #tpu.memory_space<semaphore_mem>>
          %dma_wait3A_271 = arith.constant 0 : i32
          %dma_wait3A_272 = tpu.memref_slice %arg4[%multiple_of3A_262, %dma_wait3A_271] : memref<786432x128xf32, #tpu.memory_space<hbm>> -> memref<256x128xf32, #tpu.memory_space<hbm>>
          %dma_wait3A_273 = arith.constant 0 : i32
          %dma_wait3A_274 = arith.constant 0 : i32
          %dma_wait3A_275 = tpu.memref_slice %arg6[%select_n3A_153, %dma_wait3A_273, %dma_wait3A_274] : memref<2x256x128xf32, #tpu.memory_space<vmem>> -> memref<1x256x128xf32, #tpu.memory_space<vmem>>
          %dma_wait3A_276 = tpu.memref_squeeze %dma_wait3A_275 : memref<1x256x128xf32, #tpu.memory_space<vmem>> -> memref<256x128xf32, #tpu.memory_space<vmem>>
          tpu.wait_dma2 semaphore(%dma_wait3A_270 : memref<!tpu.dma_semaphore, #tpu.memory_space<semaphore_mem>>) src(%dma_wait3A_276 : memref<256x128xf32, #tpu.memory_space<vmem>>) dst(%dma_wait3A_272 : memref<256x128xf32, #tpu.memory_space<hbm>>)
        } else {
        }
        %dma_start3A_232 = arith.constant 0 : i32
        %dma_start3A_233 = arith.constant 0 : i32
        %dma_start3A_234 = tpu.memref_slice %arg6[%select_n3A_153, %dma_start3A_232, %dma_start3A_233] : memref<2x256x128xf32, #tpu.memory_space<vmem>> -> memref<1x128x128xf32, #tpu.memory_space<vmem>>
        %dma_start3A_235 = tpu.memref_squeeze %dma_start3A_234 : memref<1x128x128xf32, #tpu.memory_space<vmem>> -> memref<128x128xf32, #tpu.memory_space<vmem>>
        %dma_start3A_236 = arith.constant 0 : i32
        %dma_start3A_237 = tpu.memref_slice %arg5[%select_n3A_153, %dma_start3A_236] : memref<2x256xi32, #tpu.memory_space<vmem>> -> memref<1x128xi32, #tpu.memory_space<vmem>>
        %dma_start3A_238 = tpu.memref_squeeze %dma_start3A_237 : memref<1x128xi32, #tpu.memory_space<vmem>> -> memref<128xi32, #tpu.memory_space<vmem>>
        %dma_start3A_239 = arith.constant 0 : i32
        %dma_start3A_240 = arith.constant 0 : i32
        %dma_start3A_241 = tpu.memref_slice %arg2[%dma_start3A_239, %dma_start3A_240] : memref<393216x128xf32, #tpu.memory_space<hbm>> -> memref<393216x128xf32, #tpu.memory_space<hbm>>
        %dma_start3A_242 = tpu.memref_slice %arg8[%select_n3A_153] : memref<2x!tpu.dma_semaphore, #tpu.memory_space<semaphore_mem>> -> memref<1x!tpu.dma_semaphore, #tpu.memory_space<semaphore_mem>>
        %dma_start3A_243 = tpu.memref_squeeze %dma_start3A_242 : memref<1x!tpu.dma_semaphore, #tpu.memory_space<semaphore_mem>> -> memref<!tpu.dma_semaphore, #tpu.memory_space<semaphore_mem>>
        tpu.enqueue_indirect_dma source(%dma_start3A_241 : memref<393216x128xf32, #tpu.memory_space<hbm>>) target(%dma_start3A_235 : memref<128x128xf32, #tpu.memory_space<vmem>>) offsets(%dma_start3A_238 : memref<128xi32, #tpu.memory_space<vmem>>) semaphore(%dma_start3A_243 : memref<!tpu.dma_semaphore, #tpu.memory_space<semaphore_mem>>)
        %dma_start3A_244 = arith.constant 128 : i32
        %dma_start3A_245 = arith.constant 0 : i32
        %dma_start3A_246 = tpu.memref_slice %arg6[%select_n3A_153, %dma_start3A_244, %dma_start3A_245] : memref<2x256x128xf32, #tpu.memory_space<vmem>> -> memref<1x128x128xf32, #tpu.memory_space<vmem>>
        %dma_start3A_247 = tpu.memref_squeeze %dma_start3A_246 : memref<1x128x128xf32, #tpu.memory_space<vmem>> -> memref<128x128xf32, #tpu.memory_space<vmem>>
        %dma_start3A_248 = arith.constant 128 : i32
        %dma_start3A_249 = tpu.memref_slice %arg5[%select_n3A_153, %dma_start3A_248] : memref<2x256xi32, #tpu.memory_space<vmem>> -> memref<1x128xi32, #tpu.memory_space<vmem>>
        %dma_start3A_250 = tpu.memref_squeeze %dma_start3A_249 : memref<1x128xi32, #tpu.memory_space<vmem>> -> memref<128xi32, #tpu.memory_space<vmem>>
        %dma_start3A_251 = arith.constant 0 : i32
        %dma_start3A_252 = arith.constant 0 : i32
        %dma_start3A_253 = tpu.memref_slice %arg2[%dma_start3A_251, %dma_start3A_252] : memref<393216x128xf32, #tpu.memory_space<hbm>> -> memref<393216x128xf32, #tpu.memory_space<hbm>>
        %dma_start3A_254 = tpu.memref_slice %arg8[%select_n3A_153] : memref<2x!tpu.dma_semaphore, #tpu.memory_space<semaphore_mem>> -> memref<1x!tpu.dma_semaphore, #tpu.memory_space<semaphore_mem>>
        %dma_start3A_255 = tpu.memref_squeeze %dma_start3A_254 : memref<1x!tpu.dma_semaphore, #tpu.memory_space<semaphore_mem>> -> memref<!tpu.dma_semaphore, #tpu.memory_space<semaphore_mem>>
        tpu.enqueue_indirect_dma source(%dma_start3A_253 : memref<393216x128xf32, #tpu.memory_space<hbm>>) target(%dma_start3A_247 : memref<128x128xf32, #tpu.memory_space<vmem>>) offsets(%dma_start3A_250 : memref<128xi32, #tpu.memory_space<vmem>>) semaphore(%dma_start3A_255 : memref<!tpu.dma_semaphore, #tpu.memory_space<semaphore_mem>>)
      } else {
      }
    }
    %scan3A_83 = arith.constant 96 : i32
    %mul3A_84 = arith.constant 24576 : i32
    %mul3A_85 = arith.muli %add3A, %mul3A_84 : i32
    %add3A_86 = arith.constant 24064 : i32
    %add3A_87 = arith.addi %mul3A_85, %add3A_86 : i32
    %multiple_of3A_88 = tpu.assume_multiple %add3A_87, 256 : i32
    %dma_wait3A_89 = arith.constant 0 : i32
    %dma_wait3A_90 = arith.constant 0 : i32
    %dma_wait3A_91 = arith.constant 0 : i32
    %dma_wait3A_92 = arith.constant 0 : i32
    %dma_wait3A_93 = tpu.memref_slice %arg6[%dma_wait3A_89, %dma_wait3A_91, %dma_wait3A_92] : memref<2x256x128xf32, #tpu.memory_space<vmem>> -> memref<1x256x128xf32, #tpu.memory_space<vmem>>
    %dma_wait3A_94 = tpu.memref_squeeze %dma_wait3A_93 : memref<1x256x128xf32, #tpu.memory_space<vmem>> -> memref<256x128xf32, #tpu.memory_space<vmem>>
    %dma_wait3A_95 = arith.constant 0 : i32
    %dma_wait3A_96 = tpu.memref_slice %arg4[%multiple_of3A_88, %dma_wait3A_95] : memref<786432x128xf32, #tpu.memory_space<hbm>> -> memref<256x128xf32, #tpu.memory_space<hbm>>
    %dma_wait3A_97 = tpu.memref_slice %arg9[%dma_wait3A_90] : memref<2x!tpu.dma_semaphore, #tpu.memory_space<semaphore_mem>> -> memref<1x!tpu.dma_semaphore, #tpu.memory_space<semaphore_mem>>
    %dma_wait3A_98 = tpu.memref_squeeze %dma_wait3A_97 : memref<1x!tpu.dma_semaphore, #tpu.memory_space<semaphore_mem>> -> memref<!tpu.dma_semaphore, #tpu.memory_space<semaphore_mem>>
    %dma_wait3A_99 = arith.constant 0 : i32
    %dma_wait3A_100 = tpu.memref_slice %arg4[%multiple_of3A_88, %dma_wait3A_99] : memref<786432x128xf32, #tpu.memory_space<hbm>> -> memref<256x128xf32, #tpu.memory_space<hbm>>
    %dma_wait3A_101 = arith.constant 0 : i32
    %dma_wait3A_102 = arith.constant 0 : i32
    %dma_wait3A_103 = tpu.memref_slice %arg6[%dma_wait3A_89, %dma_wait3A_101, %dma_wait3A_102] : memref<2x256x128xf32, #tpu.memory_space<vmem>> -> memref<1x256x128xf32, #tpu.memory_space<vmem>>
    %dma_wait3A_104 = tpu.memref_squeeze %dma_wait3A_103 : memref<1x256x128xf32, #tpu.memory_space<vmem>> -> memref<256x128xf32, #tpu.memory_space<vmem>>
    tpu.wait_dma2 semaphore(%dma_wait3A_98 : memref<!tpu.dma_semaphore, #tpu.memory_space<semaphore_mem>>) src(%dma_wait3A_104 : memref<256x128xf32, #tpu.memory_space<vmem>>) dst(%dma_wait3A_100 : memref<256x128xf32, #tpu.memory_space<hbm>>)
    %mul3A_105 = arith.constant 24576 : i32
    %mul3A_106 = arith.muli %add3A, %mul3A_105 : i32
    %add3A_107 = arith.constant 24320 : i32
    %add3A_108 = arith.addi %mul3A_106, %add3A_107 : i32
    %multiple_of3A_109 = tpu.assume_multiple %add3A_108, 256 : i32
    %dma_wait3A_110 = arith.constant 1 : i32
    %dma_wait3A_111 = arith.constant 1 : i32
    %dma_wait3A_112 = arith.constant 0 : i32
    %dma_wait3A_113 = arith.constant 0 : i32
    %dma_wait3A_114 = tpu.memref_slice %arg6[%dma_wait3A_110, %dma_wait3A_112, %dma_wait3A_113] : memref<2x256x128xf32, #tpu.memory_space<vmem>> -> memref<1x256x128xf32, #tpu.memory_space<vmem>>
    %dma_wait3A_115 = tpu.memref_squeeze %dma_wait3A_114 : memref<1x256x128xf32, #tpu.memory_space<vmem>> -> memref<256x128xf32, #tpu.memory_space<vmem>>
    %dma_wait3A_116 = arith.constant 0 : i32
    %dma_wait3A_117 = tpu.memref_slice %arg4[%multiple_of3A_109, %dma_wait3A_116] : memref<786432x128xf32, #tpu.memory_space<hbm>> -> memref<256x128xf32, #tpu.memory_space<hbm>>
    %dma_wait3A_118 = tpu.memref_slice %arg9[%dma_wait3A_111] : memref<2x!tpu.dma_semaphore, #tpu.memory_space<semaphore_mem>> -> memref<1x!tpu.dma_semaphore, #tpu.memory_space<semaphore_mem>>
    %dma_wait3A_119 = tpu.memref_squeeze %dma_wait3A_118 : memref<1x!tpu.dma_semaphore, #tpu.memory_space<semaphore_mem>> -> memref<!tpu.dma_semaphore, #tpu.memory_space<semaphore_mem>>
    %dma_wait3A_120 = arith.constant 0 : i32
    %dma_wait3A_121 = tpu.memref_slice %arg4[%multiple_of3A_109, %dma_wait3A_120] : memref<786432x128xf32, #tpu.memory_space<hbm>> -> memref<256x128xf32, #tpu.memory_space<hbm>>
    %dma_wait3A_122 = arith.constant 0 : i32
    %dma_wait3A_123 = arith.constant 0 : i32
    %dma_wait3A_124 = tpu.memref_slice %arg6[%dma_wait3A_110, %dma_wait3A_122, %dma_wait3A_123] : memref<2x256x128xf32, #tpu.memory_space<vmem>> -> memref<1x256x128xf32, #tpu.memory_space<vmem>>
    %dma_wait3A_125 = tpu.memref_squeeze %dma_wait3A_124 : memref<1x256x128xf32, #tpu.memory_space<vmem>> -> memref<256x128xf32, #tpu.memory_space<vmem>>
    tpu.wait_dma2 semaphore(%dma_wait3A_119 : memref<!tpu.dma_semaphore, #tpu.memory_space<semaphore_mem>>) src(%dma_wait3A_125 : memref<256x128xf32, #tpu.memory_space<vmem>>) dst(%dma_wait3A_121 : memref<256x128xf32, #tpu.memory_space<hbm>>)
    return
  }
}

module attributes {stable_mosaic.version = 14 : i64} {
  func.func @_v_body(%arg0: i32, %arg1: memref<512x768xf32, #tpu.memory_space<vmem>>, %arg2: memref<1x1x768xf32, #tpu.memory_space<vmem>>, %arg3: memref<1x768xf32, #tpu.memory_space<vmem>>, %arg4: memref<1x768xf32, #tpu.memory_space<vmem>>, %arg5: memref<768x768xf32, #tpu.memory_space<vmem>>, %arg6: memref<1x768xf32, #tpu.memory_space<vmem>>, %arg7: memref<512x768xf32, #tpu.memory_space<vmem>>) attributes {dimension_semantics = [#tpu.dimension_semantics<arbitrary>], iteration_bounds = array<i64: 64>, scalar_prefetch = 0 : i64, scratch_operands = 0 : i64, tpu.core_type = #tpu.core_type<tc>, window_params = [{transform_indices = @transform_0, window_bounds = array<i64: 512, 768>}, {transform_indices = @transform_1, window_bounds = array<i64: 1, 1, 768>}, {pipeline_mode = #tpu.pipeline_mode<synchronous>, transform_indices = @transform_2, window_bounds = array<i64: 1, 768>}, {pipeline_mode = #tpu.pipeline_mode<synchronous>, transform_indices = @transform_3, window_bounds = array<i64: 1, 768>}, {pipeline_mode = #tpu.pipeline_mode<synchronous>, transform_indices = @transform_4, window_bounds = array<i64: 768, 768>}, {pipeline_mode = #tpu.pipeline_mode<synchronous>, transform_indices = @transform_5, window_bounds = array<i64: 1, 768>}, {transform_indices = @transform_6, window_bounds = array<i64: 512, 768>}]} {
    %get3A = arith.constant 0 : index
    %get3A_0 = arith.constant 0 : index
    %get3A_1 = vector.load %arg1[%get3A, %get3A_0] : memref<512x768xf32, #tpu.memory_space<vmem>>, vector<512x768xf32>
    %get3A_2 = arith.constant 0 : index
    %get3A_3 = arith.constant 0 : index
    %get3A_4 = arith.constant 0 : index
    %get3A_5 = vector.load %arg2[%get3A_2, %get3A_3, %get3A_4] : memref<1x1x768xf32, #tpu.memory_space<vmem>>, vector<1x1x768xf32>
    %get3A_6 = vector.shape_cast %get3A_5 : vector<1x1x768xf32> to vector<1x768xf32>
    %add3A = vector.broadcast %get3A_6 : vector<1x768xf32> to vector<512x768xf32>
    %add3A_7 = arith.addf %get3A_1, %add3A : vector<512x768xf32>
    %reduce_sum3A = arith.constant dense<0.000000e+00> : vector<512xf32>
    %reduce_sum3A_8 = vector.multi_reduction <add>, %add3A_7, %reduce_sum3A [1] : vector<512x768xf32> to vector<512xf32>
    %broadcast_in_dim3A = vector.shape_cast %reduce_sum3A_8 : vector<512xf32> to vector<512x1xf32>
    %div3A = arith.constant 7.680000e+02 : f32
    %div3A_9 = vector.broadcast %div3A : f32 to vector<512x1xf32>
    %div3A_10 = arith.divf %broadcast_in_dim3A, %div3A_9 : vector<512x1xf32>
    %sub3A = vector.broadcast %div3A_10 : vector<512x1xf32> to vector<512x768xf32>
    %sub3A_11 = arith.subf %add3A_7, %sub3A : vector<512x768xf32>
    %integer_pow3A = arith.mulf %sub3A_11, %sub3A_11 : vector<512x768xf32>
    %reduce_sum3A_12 = arith.constant dense<0.000000e+00> : vector<512xf32>
    %reduce_sum3A_13 = vector.multi_reduction <add>, %integer_pow3A, %reduce_sum3A_12 [1] : vector<512x768xf32> to vector<512xf32>
    %broadcast_in_dim3A_14 = vector.shape_cast %reduce_sum3A_13 : vector<512xf32> to vector<512x1xf32>
    %div3A_15 = arith.constant 7.680000e+02 : f32
    %div3A_16 = vector.broadcast %div3A_15 : f32 to vector<512x1xf32>
    %div3A_17 = arith.divf %broadcast_in_dim3A_14, %div3A_16 : vector<512x1xf32>
    %sub3A_18 = vector.broadcast %div3A_10 : vector<512x1xf32> to vector<512x768xf32>
    %sub3A_19 = arith.subf %add3A_7, %sub3A_18 : vector<512x768xf32>
    %add3A_20 = arith.constant 9.99999974E-6 : f32
    %add3A_21 = vector.broadcast %add3A_20 : f32 to vector<512x1xf32>
    %add3A_22 = arith.addf %div3A_17, %add3A_21 : vector<512x1xf32>
    %rsqrt3A = math.rsqrt %add3A_22 : vector<512x1xf32>
    %mul3A = vector.broadcast %rsqrt3A : vector<512x1xf32> to vector<512x768xf32>
    %mul3A_23 = arith.mulf %sub3A_19, %mul3A : vector<512x768xf32>
    %get3A_24 = arith.constant 0 : index
    %get3A_25 = arith.constant 0 : index
    %get3A_26 = vector.load %arg3[%get3A_24, %get3A_25] : memref<1x768xf32, #tpu.memory_space<vmem>>, vector<1x768xf32>
    %mul3A_27 = vector.broadcast %get3A_26 : vector<1x768xf32> to vector<512x768xf32>
    %mul3A_28 = arith.mulf %mul3A_23, %mul3A_27 : vector<512x768xf32>
    %get3A_29 = arith.constant 0 : index
    %get3A_30 = arith.constant 0 : index
    %get3A_31 = vector.load %arg4[%get3A_29, %get3A_30] : memref<1x768xf32, #tpu.memory_space<vmem>>, vector<1x768xf32>
    %add3A_32 = vector.broadcast %get3A_31 : vector<1x768xf32> to vector<512x768xf32>
    %add3A_33 = arith.addf %mul3A_28, %add3A_32 : vector<512x768xf32>
    %get3A_34 = arith.constant 0 : index
    %get3A_35 = arith.constant 0 : index
    %get3A_36 = vector.load %arg5[%get3A_34, %get3A_35] : memref<768x768xf32, #tpu.memory_space<vmem>>, vector<768x768xf32>
    %dot_general3A = arith.constant dense<0.000000e+00> : vector<512x768xf32>
    %dot_general3A_37 = tpu.matmul %add3A_33, %get3A_36, %dot_general3A {dimension_numbers = #tpu.dot_dimension_numbers<[1], [0], [0], [1], [0, 0, 1, 1], [], []>, transpose_lhs_hint = false} : vector<512x768xf32>, vector<768x768xf32>, vector<512x768xf32> -> vector<512x768xf32>
    %get3A_38 = arith.constant 0 : index
    %get3A_39 = arith.constant 0 : index
    %get3A_40 = vector.load %arg6[%get3A_38, %get3A_39] : memref<1x768xf32, #tpu.memory_space<vmem>>, vector<1x768xf32>
    %add3A_41 = vector.broadcast %get3A_40 : vector<1x768xf32> to vector<512x768xf32>
    %add3A_42 = arith.addf %dot_general3A_37, %add3A_41 : vector<512x768xf32>
    %swap3A = arith.constant 0 : index
    %swap3A_43 = arith.constant 0 : index
    %swap3A_44 = vector.load %arg7[%swap3A, %swap3A_43] : memref<512x768xf32, #tpu.memory_space<vmem>>, vector<512x768xf32>
    tpu.vector_store %arg7[%swap3A, %swap3A_43], %add3A_42 {strides = array<i32>} : memref<512x768xf32, #tpu.memory_space<vmem>>, vector<512x768xf32>,
    return
  }
  func.func @transform_0(%arg0: i32) -> (i32, i32) {
    %c0_i32 = arith.constant 0 : i32
    %c0_i32_0 = arith.constant 0 : i32
    return %arg0, %c0_i32 : i32, i32
  }
  func.func @transform_1(%arg0: i32) -> (i32, i32, i32) {
    %mul3A = arith.constant 512 : i32
    %mul3A_0 = arith.muli %arg0, %mul3A : i32
    %jit3A = arith.constant 16384 : i32
    %eq3A = arith.constant 0 : i32
    %eq3A_1 = arith.cmpi eq, %jit3A, %eq3A : i32
    %jit3A_2 = arith.constant 1 : i32
    %select_n3A = arith.select %eq3A_1, %jit3A_2, %jit3A : i32
    %rem3A = arith.remsi %mul3A_0, %select_n3A : i32
    %ne3A = arith.constant 0 : i32
    %ne3A_3 = arith.cmpi ne, %rem3A, %ne3A : i32
    %lt3A = arith.constant 0 : i32
    %lt3A_4 = arith.cmpi slt, %rem3A, %lt3A : i32
    %lt3A_5 = arith.constant 0 : i32
    %lt3A_6 = arith.cmpi slt, %select_n3A, %lt3A_5 : i32
    %ne3A_7 = arith.xori %lt3A_4, %lt3A_6 : i1
    %and3A = arith.andi %ne3A_7, %ne3A_3 : i1
    %add3A = arith.addi %rem3A, %select_n3A : i32
    %select_n3A_8 = arith.select %and3A, %add3A, %rem3A : i32
    %jit3A_9 = arith.constant 8192 : i32
    %div3A = arith.divsi %select_n3A_8, %jit3A_9 : i32
    %sign3A = arith.constant 0 : i32
    %sign3A_10 = arith.cmpi sgt, %select_n3A_8, %sign3A : i32
    %sign3A_11 = arith.extui %sign3A_10 : i1 to i32
    %sign3A_12 = arith.constant 0 : i32
    %sign3A_13 = arith.cmpi slt, %select_n3A_8, %sign3A_12 : i32
    %sign3A_14 = arith.extui %sign3A_13 : i1 to i32
    %sign3A_15 = arith.subi %sign3A_11, %sign3A_14 : i32
    %sign3A_16 = arith.constant 0 : i32
    %sign3A_17 = arith.cmpi sgt, %jit3A_9, %sign3A_16 : i32
    %sign3A_18 = arith.extui %sign3A_17 : i1 to i32
    %sign3A_19 = arith.constant 0 : i32
    %sign3A_20 = arith.cmpi slt, %jit3A_9, %sign3A_19 : i32
    %sign3A_21 = arith.extui %sign3A_20 : i1 to i32
    %sign3A_22 = arith.subi %sign3A_18, %sign3A_21 : i32
    %ne3A_23 = arith.cmpi ne, %sign3A_15, %sign3A_22 : i32
    %rem3A_24 = arith.remsi %select_n3A_8, %jit3A_9 : i32
    %ne3A_25 = arith.constant 0 : i32
    %ne3A_26 = arith.cmpi ne, %rem3A_24, %ne3A_25 : i32
    %and3A_27 = arith.andi %ne3A_23, %ne3A_26 : i1
    %sub3A = arith.constant 1 : i32
    %sub3A_28 = arith.subi %div3A, %sub3A : i32
    %select_n3A_29 = arith.select %and3A_27, %sub3A_28, %div3A : i32
    %c0_i32 = arith.constant 0 : i32
    %c0_i32_30 = arith.constant 0 : i32
    %c0_i32_31 = arith.constant 0 : i32
    return %select_n3A_29, %c0_i32, %c0_i32_30 : i32, i32, i32
  }
  func.func @transform_2(%arg0: i32) -> (i32, i32) {
    %c0_i32 = arith.constant 0 : i32
    %c0_i32_0 = arith.constant 0 : i32
    %c0_i32_1 = arith.constant 0 : i32
    return %c0_i32, %c0_i32_0 : i32, i32
  }
  func.func @transform_3(%arg0: i32) -> (i32, i32) {
    %c0_i32 = arith.constant 0 : i32
    %c0_i32_0 = arith.constant 0 : i32
    %c0_i32_1 = arith.constant 0 : i32
    return %c0_i32, %c0_i32_0 : i32, i32
  }
  func.func @transform_4(%arg0: i32) -> (i32, i32) {
    %c0_i32 = arith.constant 0 : i32
    %c0_i32_0 = arith.constant 0 : i32
    %c0_i32_1 = arith.constant 0 : i32
    return %c0_i32, %c0_i32_0 : i32, i32
  }
  func.func @transform_5(%arg0: i32) -> (i32, i32) {
    %c0_i32 = arith.constant 0 : i32
    %c0_i32_0 = arith.constant 0 : i32
    %c0_i32_1 = arith.constant 0 : i32
    return %c0_i32, %c0_i32_0 : i32, i32
  }
  func.func @transform_6(%arg0: i32) -> (i32, i32) {
    %c0_i32 = arith.constant 0 : i32
    %c0_i32_0 = arith.constant 0 : i32
    return %arg0, %c0_i32 : i32, i32
  }
}

module attributes {stable_mosaic.version = 14 : i64} {
  func.func @_q_body(%arg0: i32, %arg1: i32, %arg2: memref<1x256x768xf32, #tpu.memory_space<vmem>>, %arg3: memref<1x256x768xf32, #tpu.memory_space<vmem>>, %arg4: memref<2x768xf32, #tpu.memory_space<vmem>>, %arg5: memref<1x1536xf32, #tpu.memory_space<vmem>>, %arg6: memref<1x1536xf32, #tpu.memory_space<vmem>>, %arg7: memref<1536x768xf32, #tpu.memory_space<vmem>>, %arg8: memref<1x768xf32, #tpu.memory_space<vmem>>, %arg9: memref<768x384xf32, #tpu.memory_space<vmem>>, %arg10: memref<1x384xf32, #tpu.memory_space<vmem>>, %arg11: memref<128x128xf32, #tpu.memory_space<vmem>>, %arg12: memref<128x48xf32, #tpu.memory_space<vmem>>, %arg13: memref<256x48xi32, #tpu.memory_space<vmem>>, %arg14: memref<256x96xf32, #tpu.memory_space<vmem>>) attributes {dimension_semantics = [#tpu.dimension_semantics<arbitrary>, #tpu.dimension_semantics<arbitrary>], iteration_bounds = array<i64: 2, 32>, scalar_prefetch = 0 : i64, scratch_operands = 0 : i64, tpu.core_type = #tpu.core_type<tc>, window_params = [{transform_indices = @transform_0, window_bounds = array<i64: 1, 256, 768>}, {transform_indices = @transform_1, window_bounds = array<i64: 1, 256, 768>}, {pipeline_mode = #tpu.pipeline_mode<synchronous>, transform_indices = @transform_2, window_bounds = array<i64: 2, 768>}, {pipeline_mode = #tpu.pipeline_mode<synchronous>, transform_indices = @transform_3, window_bounds = array<i64: 1, 1536>}, {pipeline_mode = #tpu.pipeline_mode<synchronous>, transform_indices = @transform_4, window_bounds = array<i64: 1, 1536>}, {pipeline_mode = #tpu.pipeline_mode<synchronous>, transform_indices = @transform_5, window_bounds = array<i64: 1536, 768>}, {pipeline_mode = #tpu.pipeline_mode<synchronous>, transform_indices = @transform_6, window_bounds = array<i64: 1, 768>}, {pipeline_mode = #tpu.pipeline_mode<synchronous>, transform_indices = @transform_7, window_bounds = array<i64: 768, 384>}, {pipeline_mode = #tpu.pipeline_mode<synchronous>, transform_indices = @transform_8, window_bounds = array<i64: 1, 384>}, {pipeline_mode = #tpu.pipeline_mode<synchronous>, transform_indices = @transform_9, window_bounds = array<i64: 128, 128>}, {pipeline_mode = #tpu.pipeline_mode<synchronous>, transform_indices = @transform_10, window_bounds = array<i64: 128, 48>}, {transform_indices = @transform_11, window_bounds = array<i64: 256, 48>}, {transform_indices = @transform_12, window_bounds = array<i64: 256, 96>}]} {
    %get3A = arith.constant 0 : index
    %get3A_0 = arith.constant 0 : index
    %get3A_1 = arith.constant 0 : index
    %get3A_2 = vector.load %arg2[%get3A, %get3A_0, %get3A_1] : memref<1x256x768xf32, #tpu.memory_space<vmem>>, vector<1x256x768xf32>
    %get3A_3 = vector.shape_cast %get3A_2 : vector<1x256x768xf32> to vector<256x768xf32>
    %get3A_4 = arith.constant 1 : index
    %get3A_5 = arith.constant 0 : index
    %get3A_6 = vector.load %arg4[%get3A_4, %get3A_5] : memref<2x768xf32, #tpu.memory_space<vmem>>, vector<1x768xf32>
    %add3A = vector.broadcast %get3A_6 : vector<1x768xf32> to vector<256x768xf32>
    %add3A_7 = arith.addf %get3A_3, %add3A : vector<256x768xf32>
    %get3A_8 = arith.constant 0 : index
    %get3A_9 = arith.constant 0 : index
    %get3A_10 = arith.constant 0 : index
    %get3A_11 = vector.load %arg3[%get3A_8, %get3A_9, %get3A_10] : memref<1x256x768xf32, #tpu.memory_space<vmem>>, vector<1x256x768xf32>
    %get3A_12 = vector.shape_cast %get3A_11 : vector<1x256x768xf32> to vector<256x768xf32>
    %get3A_13 = arith.constant 0 : index
    %get3A_14 = arith.constant 0 : index
    %get3A_15 = vector.load %arg4[%get3A_13, %get3A_14] : memref<2x768xf32, #tpu.memory_space<vmem>>, vector<1x768xf32>
    %add3A_16 = vector.broadcast %get3A_15 : vector<1x768xf32> to vector<256x768xf32>
    %add3A_17 = arith.addf %get3A_12, %add3A_16 : vector<256x768xf32>
    %reduce_sum3A = arith.constant dense<0.000000e+00> : vector<256xf32>
    %reduce_sum3A_18 = vector.multi_reduction <add>, %add3A_17, %reduce_sum3A [1] : vector<256x768xf32> to vector<256xf32>
    %broadcast_in_dim3A = vector.shape_cast %reduce_sum3A_18 : vector<256xf32> to vector<256x1xf32>
    %reduce_sum3A_19 = arith.constant dense<0.000000e+00> : vector<256xf32>
    %reduce_sum3A_20 = vector.multi_reduction <add>, %add3A_7, %reduce_sum3A_19 [1] : vector<256x768xf32> to vector<256xf32>
    %broadcast_in_dim3A_21 = vector.shape_cast %reduce_sum3A_20 : vector<256xf32> to vector<256x1xf32>
    %add3A_22 = arith.addf %broadcast_in_dim3A, %broadcast_in_dim3A_21 : vector<256x1xf32>
    %div3A = arith.constant 1.536000e+03 : f32
    %div3A_23 = vector.broadcast %div3A : f32 to vector<256x1xf32>
    %div3A_24 = arith.divf %add3A_22, %div3A_23 : vector<256x1xf32>
    %sub3A = vector.broadcast %div3A_24 : vector<256x1xf32> to vector<256x768xf32>
    %sub3A_25 = arith.subf %add3A_17, %sub3A : vector<256x768xf32>
    %integer_pow3A = arith.mulf %sub3A_25, %sub3A_25 : vector<256x768xf32>
    %reduce_sum3A_26 = arith.constant dense<0.000000e+00> : vector<256xf32>
    %reduce_sum3A_27 = vector.multi_reduction <add>, %integer_pow3A, %reduce_sum3A_26 [1] : vector<256x768xf32> to vector<256xf32>
    %broadcast_in_dim3A_28 = vector.shape_cast %reduce_sum3A_27 : vector<256xf32> to vector<256x1xf32>
    %sub3A_29 = vector.broadcast %div3A_24 : vector<256x1xf32> to vector<256x768xf32>
    %sub3A_30 = arith.subf %add3A_7, %sub3A_29 : vector<256x768xf32>
    %integer_pow3A_31 = arith.mulf %sub3A_30, %sub3A_30 : vector<256x768xf32>
    %reduce_sum3A_32 = arith.constant dense<0.000000e+00> : vector<256xf32>
    %reduce_sum3A_33 = vector.multi_reduction <add>, %integer_pow3A_31, %reduce_sum3A_32 [1] : vector<256x768xf32> to vector<256xf32>
    %broadcast_in_dim3A_34 = vector.shape_cast %reduce_sum3A_33 : vector<256xf32> to vector<256x1xf32>
    %add3A_35 = arith.addf %broadcast_in_dim3A_28, %broadcast_in_dim3A_34 : vector<256x1xf32>
    %div3A_36 = arith.constant 1.536000e+03 : f32
    %div3A_37 = vector.broadcast %div3A_36 : f32 to vector<256x1xf32>
    %div3A_38 = arith.divf %add3A_35, %div3A_37 : vector<256x1xf32>
    %add3A_39 = arith.constant 9.99999974E-6 : f32
    %add3A_40 = vector.broadcast %add3A_39 : f32 to vector<256x1xf32>
    %add3A_41 = arith.addf %div3A_38, %add3A_40 : vector<256x1xf32>
    %rsqrt3A = math.rsqrt %add3A_41 : vector<256x1xf32>
    %sub3A_42 = vector.broadcast %div3A_24 : vector<256x1xf32> to vector<256x768xf32>
    %sub3A_43 = arith.subf %add3A_17, %sub3A_42 : vector<256x768xf32>
    %mul3A = vector.broadcast %rsqrt3A : vector<256x1xf32> to vector<256x768xf32>
    %mul3A_44 = arith.mulf %sub3A_43, %mul3A : vector<256x768xf32>
    %sub3A_45 = vector.broadcast %div3A_24 : vector<256x1xf32> to vector<256x768xf32>
    %sub3A_46 = arith.subf %add3A_7, %sub3A_45 : vector<256x768xf32>
    %mul3A_47 = vector.broadcast %rsqrt3A : vector<256x1xf32> to vector<256x768xf32>
    %mul3A_48 = arith.mulf %sub3A_46, %mul3A_47 : vector<256x768xf32>
    %concatenate3A = tpu.concatenate %mul3A_44, %mul3A_48 in 1 : vector<256x768xf32>, vector<256x768xf32> -> vector<256x1536xf32>
    %get3A_49 = arith.constant 0 : index
    %get3A_50 = arith.constant 0 : index
    %get3A_51 = vector.load %arg5[%get3A_49, %get3A_50] : memref<1x1536xf32, #tpu.memory_space<vmem>>, vector<1x1536xf32>
    %mul3A_52 = vector.broadcast %get3A_51 : vector<1x1536xf32> to vector<256x1536xf32>
    %mul3A_53 = arith.mulf %concatenate3A, %mul3A_52 : vector<256x1536xf32>
    %get3A_54 = arith.constant 0 : index
    %get3A_55 = arith.constant 0 : index
    %get3A_56 = vector.load %arg6[%get3A_54, %get3A_55] : memref<1x1536xf32, #tpu.memory_space<vmem>>, vector<1x1536xf32>
    %add3A_57 = vector.broadcast %get3A_56 : vector<1x1536xf32> to vector<256x1536xf32>
    %add3A_58 = arith.addf %mul3A_53, %add3A_57 : vector<256x1536xf32>
    %get3A_59 = arith.constant 0 : index
    %get3A_60 = arith.constant 0 : index
    %get3A_61 = vector.load %arg7[%get3A_59, %get3A_60] : memref<1536x768xf32, #tpu.memory_space<vmem>>, vector<1536x768xf32>
    %dot_general3A = arith.constant dense<0.000000e+00> : vector<256x768xf32>
    %dot_general3A_62 = tpu.matmul %add3A_58, %get3A_61, %dot_general3A {dimension_numbers = #tpu.dot_dimension_numbers<[1], [0], [0], [1], [0, 0, 1, 1], [], []>, transpose_lhs_hint = false} : vector<256x1536xf32>, vector<1536x768xf32>, vector<256x768xf32> -> vector<256x768xf32>
    %get3A_63 = arith.constant 0 : index
    %get3A_64 = arith.constant 0 : index
    %get3A_65 = vector.load %arg8[%get3A_63, %get3A_64] : memref<1x768xf32, #tpu.memory_space<vmem>>, vector<1x768xf32>
    %add3A_66 = vector.broadcast %get3A_65 : vector<1x768xf32> to vector<256x768xf32>
    %add3A_67 = arith.addf %dot_general3A_62, %add3A_66 : vector<256x768xf32>
    %get3A_68 = arith.constant 0 : index
    %get3A_69 = arith.constant 0 : index
    %get3A_70 = vector.load %arg9[%get3A_68, %get3A_69] : memref<768x384xf32, #tpu.memory_space<vmem>>, vector<768x384xf32>
    %dot_general3A_71 = arith.constant dense<0.000000e+00> : vector<256x384xf32>
    %dot_general3A_72 = tpu.matmul %add3A_67, %get3A_70, %dot_general3A_71 {dimension_numbers = #tpu.dot_dimension_numbers<[1], [0], [0], [1], [0, 0, 1, 1], [], []>, transpose_lhs_hint = false} : vector<256x768xf32>, vector<768x384xf32>, vector<256x384xf32> -> vector<256x384xf32>
    %get3A_73 = arith.constant 0 : index
    %get3A_74 = arith.constant 0 : index
    %get3A_75 = vector.load %arg10[%get3A_73, %get3A_74] : memref<1x384xf32, #tpu.memory_space<vmem>>, vector<1x384xf32>
    %add3A_76 = vector.broadcast %get3A_75 : vector<1x384xf32> to vector<256x384xf32>
    %add3A_77 = arith.addf %dot_general3A_72, %add3A_76 : vector<256x384xf32>
    %slice3A = vector.extract_strided_slice %add3A_77 {offsets = [0, 0], sizes = [256, 128], strides = [1, 1]} : vector<256x384xf32> to vector<256x128xf32>
    %slice3A_78 = vector.extract_strided_slice %add3A_77 {offsets = [0, 128], sizes = [256, 128], strides = [1, 1]} : vector<256x384xf32> to vector<256x128xf32>
    %slice3A_79 = vector.extract_strided_slice %add3A_77 {offsets = [0, 256], sizes = [256, 128], strides = [1, 1]} : vector<256x384xf32> to vector<256x128xf32>
    %iota3A = tpu.iota {dimensions = array<i32: 1>} : vector<256x128xi32>
    %jit3A = arith.constant 8 : i32
    %div3A_80 = vector.broadcast %jit3A : i32 to vector<256x128xi32>
    %div3A_81 = arith.divsi %iota3A, %div3A_80 : vector<256x128xi32>
    %sign3A = arith.constant 0 : i32
    %sign3A_82 = vector.broadcast %sign3A : i32 to vector<256x128xi32>
    %sign3A_83 = arith.cmpi sgt, %iota3A, %sign3A_82 : vector<256x128xi32>
    %sign3A_84 = arith.extui %sign3A_83 : vector<256x128xi1> to vector<256x128xi32>
    %sign3A_85 = arith.constant 0 : i32
    %sign3A_86 = vector.broadcast %sign3A_85 : i32 to vector<256x128xi32>
    %sign3A_87 = arith.cmpi slt, %iota3A, %sign3A_86 : vector<256x128xi32>
    %sign3A_88 = arith.extui %sign3A_87 : vector<256x128xi1> to vector<256x128xi32>
    %sign3A_89 = arith.subi %sign3A_84, %sign3A_88 : vector<256x128xi32>
    %sign3A_90 = arith.constant 0 : i32
    %sign3A_91 = arith.cmpi sgt, %jit3A, %sign3A_90 : i32
    %sign3A_92 = arith.extui %sign3A_91 : i1 to i32
    %sign3A_93 = arith.constant 0 : i32
    %sign3A_94 = arith.cmpi slt, %jit3A, %sign3A_93 : i32
    %sign3A_95 = arith.extui %sign3A_94 : i1 to i32
    %sign3A_96 = arith.subi %sign3A_92, %sign3A_95 : i32
    %ne3A = vector.broadcast %sign3A_96 : i32 to vector<256x128xi32>
    %ne3A_97 = arith.cmpi ne, %sign3A_89, %ne3A : vector<256x128xi32>
    %rem3A = vector.broadcast %jit3A : i32 to vector<256x128xi32>
    %rem3A_98 = arith.remsi %iota3A, %rem3A : vector<256x128xi32>
    %ne3A_99 = arith.constant 0 : i32
    %ne3A_100 = vector.broadcast %ne3A_99 : i32 to vector<256x128xi32>
    %ne3A_101 = arith.cmpi ne, %rem3A_98, %ne3A_100 : vector<256x128xi32>
    %and3A = arith.andi %ne3A_97, %ne3A_101 : vector<256x128xi1>
    %sub3A_102 = arith.constant 1 : i32
    %sub3A_103 = vector.broadcast %sub3A_102 : i32 to vector<256x128xi32>
    %sub3A_104 = arith.subi %div3A_81, %sub3A_103 : vector<256x128xi32>
    %select_n3A = arith.select %and3A, %sub3A_104, %div3A_81 : vector<256x128xi1>, vector<256x128xi32>
    %jit3A_105 = arith.constant 8 : i32
    %eq3A = arith.constant 0 : i32
    %eq3A_106 = arith.cmpi eq, %jit3A_105, %eq3A : i32
    %jit3A_107 = arith.constant 1 : i32
    %select_n3A_108 = arith.select %eq3A_106, %jit3A_107, %jit3A_105 : i32
    %rem3A_109 = vector.broadcast %select_n3A_108 : i32 to vector<256x128xi32>
    %rem3A_110 = arith.remsi %iota3A, %rem3A_109 : vector<256x128xi32>
    %ne3A_111 = arith.constant 0 : i32
    %ne3A_112 = vector.broadcast %ne3A_111 : i32 to vector<256x128xi32>
    %ne3A_113 = arith.cmpi ne, %rem3A_110, %ne3A_112 : vector<256x128xi32>
    %lt3A = arith.constant 0 : i32
    %lt3A_114 = vector.broadcast %lt3A : i32 to vector<256x128xi32>
    %lt3A_115 = arith.cmpi slt, %rem3A_110, %lt3A_114 : vector<256x128xi32>
    %lt3A_116 = arith.constant 0 : i32
    %lt3A_117 = arith.cmpi slt, %select_n3A_108, %lt3A_116 : i32
    %ne3A_118 = vector.broadcast %lt3A_117 : i1 to vector<256x128xi1>
    %ne3A_119 = vector.broadcast %ne3A_118 : vector<256x128xi1> to vector<256x128xi1>
    %ne3A_120 = arith.xori %lt3A_115, %ne3A_119 : vector<256x128xi1>
    %and3A_121 = arith.andi %ne3A_120, %ne3A_113 : vector<256x128xi1>
    %add3A_122 = vector.broadcast %select_n3A_108 : i32 to vector<256x128xi32>
    %add3A_123 = arith.addi %rem3A_110, %add3A_122 : vector<256x128xi32>
    %select_n3A_124 = arith.select %and3A_121, %add3A_123, %rem3A_110 : vector<256x128xi1>, vector<256x128xi32>
    %jit3A_125 = arith.constant 2 : i32
    %div3A_126 = vector.broadcast %jit3A_125 : i32 to vector<256x128xi32>
    %div3A_127 = arith.divsi %select_n3A_124, %div3A_126 : vector<256x128xi32>
    %sign3A_128 = arith.constant 0 : i32
    %sign3A_129 = vector.broadcast %sign3A_128 : i32 to vector<256x128xi32>
    %sign3A_130 = arith.cmpi sgt, %select_n3A_124, %sign3A_129 : vector<256x128xi32>
    %sign3A_131 = arith.extui %sign3A_130 : vector<256x128xi1> to vector<256x128xi32>
    %sign3A_132 = arith.constant 0 : i32
    %sign3A_133 = vector.broadcast %sign3A_132 : i32 to vector<256x128xi32>
    %sign3A_134 = arith.cmpi slt, %select_n3A_124, %sign3A_133 : vector<256x128xi32>
    %sign3A_135 = arith.extui %sign3A_134 : vector<256x128xi1> to vector<256x128xi32>
    %sign3A_136 = arith.subi %sign3A_131, %sign3A_135 : vector<256x128xi32>
    %sign3A_137 = arith.constant 0 : i32
    %sign3A_138 = arith.cmpi sgt, %jit3A_125, %sign3A_137 : i32
    %sign3A_139 = arith.extui %sign3A_138 : i1 to i32
    %sign3A_140 = arith.constant 0 : i32
    %sign3A_141 = arith.cmpi slt, %jit3A_125, %sign3A_140 : i32
    %sign3A_142 = arith.extui %sign3A_141 : i1 to i32
    %sign3A_143 = arith.subi %sign3A_139, %sign3A_142 : i32
    %ne3A_144 = vector.broadcast %sign3A_143 : i32 to vector<256x128xi32>
    %ne3A_145 = arith.cmpi ne, %sign3A_136, %ne3A_144 : vector<256x128xi32>
    %rem3A_146 = vector.broadcast %jit3A_125 : i32 to vector<256x128xi32>
    %rem3A_147 = arith.remsi %select_n3A_124, %rem3A_146 : vector<256x128xi32>
    %ne3A_148 = arith.constant 0 : i32
    %ne3A_149 = vector.broadcast %ne3A_148 : i32 to vector<256x128xi32>
    %ne3A_150 = arith.cmpi ne, %rem3A_147, %ne3A_149 : vector<256x128xi32>
    %and3A_151 = arith.andi %ne3A_145, %ne3A_150 : vector<256x128xi1>
    %sub3A_152 = arith.constant 1 : i32
    %sub3A_153 = vector.broadcast %sub3A_152 : i32 to vector<256x128xi32>
    %sub3A_154 = arith.subi %div3A_127, %sub3A_153 : vector<256x128xi32>
    %select_n3A_155 = arith.select %and3A_151, %sub3A_154, %div3A_127 : vector<256x128xi1>, vector<256x128xi32>
    %jit3A_156 = arith.constant 2 : i32
    %eq3A_157 = arith.constant 0 : i32
    %eq3A_158 = arith.cmpi eq, %jit3A_156, %eq3A_157 : i32
    %jit3A_159 = arith.constant 1 : i32
    %select_n3A_160 = arith.select %eq3A_158, %jit3A_159, %jit3A_156 : i32
    %rem3A_161 = vector.broadcast %select_n3A_160 : i32 to vector<256x128xi32>
    %rem3A_162 = arith.remsi %iota3A, %rem3A_161 : vector<256x128xi32>
    %ne3A_163 = arith.constant 0 : i32
    %ne3A_164 = vector.broadcast %ne3A_163 : i32 to vector<256x128xi32>
    %ne3A_165 = arith.cmpi ne, %rem3A_162, %ne3A_164 : vector<256x128xi32>
    %lt3A_166 = arith.constant 0 : i32
    %lt3A_167 = vector.broadcast %lt3A_166 : i32 to vector<256x128xi32>
    %lt3A_168 = arith.cmpi slt, %rem3A_162, %lt3A_167 : vector<256x128xi32>
    %lt3A_169 = arith.constant 0 : i32
    %lt3A_170 = arith.cmpi slt, %select_n3A_160, %lt3A_169 : i32
    %ne3A_171 = vector.broadcast %lt3A_170 : i1 to vector<256x128xi1>
    %ne3A_172 = vector.broadcast %ne3A_171 : vector<256x128xi1> to vector<256x128xi1>
    %ne3A_173 = arith.xori %lt3A_168, %ne3A_172 : vector<256x128xi1>
    %and3A_174 = arith.andi %ne3A_173, %ne3A_165 : vector<256x128xi1>
    %add3A_175 = vector.broadcast %select_n3A_160 : i32 to vector<256x128xi32>
    %add3A_176 = arith.addi %rem3A_162, %add3A_175 : vector<256x128xi32>
    %select_n3A_177 = arith.select %and3A_174, %add3A_176, %rem3A_162 : vector<256x128xi1>, vector<256x128xi32>
    %logistic3A = arith.negf %slice3A : vector<256x128xf32>
    %logistic3A_178 = math.exp %logistic3A : vector<256x128xf32>
    %logistic3A_179 = arith.constant 1.000000e+00 : f32
    %logistic3A_180 = vector.broadcast %logistic3A_179 : f32 to vector<256x128xf32>
    %logistic3A_181 = arith.addf %logistic3A_180, %logistic3A_178 : vector<256x128xf32>
    %logistic3A_182 = arith.divf %logistic3A_180, %logistic3A_181 : vector<256x128xf32>
    %mul3A_183 = arith.constant 1.638300e+04 : f32
    %mul3A_184 = vector.broadcast %mul3A_183 : f32 to vector<256x128xf32>
    %mul3A_185 = arith.mulf %logistic3A_182, %mul3A_184 : vector<256x128xf32>
    %convert_element_type3A = arith.sitofp %select_n3A_155 : vector<256x128xi32> to vector<256x128xf32>
    %sub3A_186 = arith.constant 1.500000e+00 : f32
    %sub3A_187 = vector.broadcast %sub3A_186 : f32 to vector<256x128xf32>
    %sub3A_188 = arith.subf %convert_element_type3A, %sub3A_187 : vector<256x128xf32>
    %add3A_189 = arith.addf %mul3A_185, %sub3A_188 : vector<256x128xf32>
    %tanh3A = math.tanh %slice3A_78 : vector<256x128xf32>
    %mul3A_190 = arith.constant 4.000000e+00 : f32
    %mul3A_191 = vector.broadcast %mul3A_190 : f32 to vector<256x128xf32>
    %mul3A_192 = arith.mulf %tanh3A, %mul3A_191 : vector<256x128xf32>
    %add3A_193 = arith.addf %add3A_189, %mul3A_192 : vector<256x128xf32>
    %ge3A = arith.constant 0.000000e+00 : f32
    %ge3A_194 = vector.broadcast %ge3A : f32 to vector<256x128xf32>
    %ge3A_195 = arith.cmpf oge, %add3A_193, %ge3A_194 : vector<256x128xf32>
    %le3A = arith.constant 1.638300e+04 : f32
    %le3A_196 = vector.broadcast %le3A : f32 to vector<256x128xf32>
    %le3A_197 = arith.cmpf ole, %add3A_193, %le3A_196 : vector<256x128xf32>
    %and3A_198 = arith.andi %ge3A_195, %le3A_197 : vector<256x128xi1>
    %reduce_max3A = arith.constant dense<0xFF800000> : vector<256xf32>
    %reduce_max3A_199 = vector.multi_reduction <maximumf>, %slice3A_79, %reduce_max3A [1] : vector<256x128xf32> to vector<256xf32>
    %broadcast_in_dim3A_200 = vector.shape_cast %reduce_max3A_199 : vector<256xf32> to vector<256x1xf32>
    %sub3A_201 = vector.broadcast %broadcast_in_dim3A_200 : vector<256x1xf32> to vector<256x128xf32>
    %sub3A_202 = arith.subf %slice3A_79, %sub3A_201 : vector<256x128xf32>
    %exp3A = math.exp %sub3A_202 : vector<256x128xf32>
    %get3A_203 = arith.constant 0 : index
    %get3A_204 = arith.constant 0 : index
    %get3A_205 = vector.load %arg11[%get3A_203, %get3A_204] : memref<128x128xf32, #tpu.memory_space<vmem>>, vector<128x128xf32>
    %dot_general3A_206 = arith.constant dense<0.000000e+00> : vector<256x128xf32>
    %dot_general3A_207 = tpu.matmul %exp3A, %get3A_205, %dot_general3A_206 {dimension_numbers = #tpu.dot_dimension_numbers<[1], [0], [0], [1], [0, 0, 1, 1], [], []>, precision = #tpu.contract_precision<fp32>, transpose_lhs_hint = false} : vector<256x128xf32>, vector<128x128xf32>, vector<256x128xf32> -> vector<256x128xf32>
    %jit3A_208 = arith.constant 0.000000e+00 : f32
    %broadcast_in_dim3A_209 = vector.broadcast %jit3A_208 : f32 to vector<256x128xf32>
    %select_n3A_210 = arith.select %and3A_198, %exp3A, %broadcast_in_dim3A_209 : vector<256x128xi1>, vector<256x128xf32>
    %get3A_211 = arith.constant 0 : index
    %get3A_212 = arith.constant 0 : index
    %get3A_213 = vector.load %arg11[%get3A_211, %get3A_212] : memref<128x128xf32, #tpu.memory_space<vmem>>, vector<128x128xf32>
    %dot_general3A_214 = arith.constant dense<0.000000e+00> : vector<256x128xf32>
    %dot_general3A_215 = tpu.matmul %select_n3A_210, %get3A_213, %dot_general3A_214 {dimension_numbers = #tpu.dot_dimension_numbers<[1], [0], [0], [1], [0, 0, 1, 1], [], []>, precision = #tpu.contract_precision<fp32>, transpose_lhs_hint = false} : vector<256x128xf32>, vector<128x128xf32>, vector<256x128xf32> -> vector<256x128xf32>
    %div3A_216 = arith.divf %select_n3A_210, %dot_general3A_207 : vector<256x128xf32>
    %div3A_217 = arith.divf %dot_general3A_215, %dot_general3A_207 : vector<256x128xf32>
    %add3A_218 = arith.constant 9.99999997E-7 : f32
    %add3A_219 = vector.broadcast %add3A_218 : f32 to vector<256x128xf32>
    %add3A_220 = arith.addf %div3A_217, %add3A_219 : vector<256x128xf32>
    %div3A_221 = arith.divf %div3A_216, %add3A_220 : vector<256x128xf32>
    %jit3A_222 = arith.constant 0.000000e+00 : f32
    %jit3A_223 = arith.constant 1.638300e+04 : f32
    %max3A = vector.broadcast %jit3A_222 : f32 to vector<256x128xf32>
    %max3A_224 = arith.maximumf %max3A, %add3A_193 : vector<256x128xf32>
    %min3A = vector.broadcast %jit3A_223 : f32 to vector<256x128xf32>
    %min3A_225 = arith.minimumf %min3A, %max3A_224 : vector<256x128xf32>
    %floor3A = math.floor %min3A_225 : vector<256x128xf32>
    %sub3A_226 = arith.subf %min3A_225, %floor3A : vector<256x128xf32>
    %eq3A_227 = arith.constant 0 : i32
    %eq3A_228 = vector.broadcast %eq3A_227 : i32 to vector<256x128xi32>
    %eq3A_229 = arith.cmpi eq, %select_n3A_177, %eq3A_228 : vector<256x128xi32>
    %sub3A_230 = arith.constant 1.000000e+00 : f32
    %sub3A_231 = vector.broadcast %sub3A_230 : f32 to vector<256x128xf32>
    %sub3A_232 = arith.subf %sub3A_231, %sub3A_226 : vector<256x128xf32>
    %select_n3A_233 = arith.select %eq3A_229, %sub3A_232, %sub3A_226 : vector<256x128xi1>, vector<256x128xf32>
    %mul3A_234 = arith.mulf %div3A_221, %select_n3A_233 : vector<256x128xf32>
    %convert_element_type3A_235 = arith.sitofp %arg0 : i32 to f32
    %mul3A_236 = arith.constant 1.638400e+04 : f32
    %mul3A_237 = arith.mulf %convert_element_type3A_235, %mul3A_236 : f32
    %add3A_238 = vector.broadcast %mul3A_237 : f32 to vector<256x128xf32>
    %add3A_239 = arith.addf %add3A_238, %floor3A : vector<256x128xf32>
    %mul3A_240 = arith.constant 1.200000e+01 : f32
    %mul3A_241 = vector.broadcast %mul3A_240 : f32 to vector<256x128xf32>
    %mul3A_242 = arith.mulf %add3A_239, %mul3A_241 : vector<256x128xf32>
    %convert_element_type3A_243 = arith.sitofp %select_n3A : vector<256x128xi32> to vector<256x128xf32>
    %add3A_244 = arith.addf %mul3A_242, %convert_element_type3A_243 : vector<256x128xf32>
    %get3A_245 = arith.constant 0 : index
    %get3A_246 = arith.constant 0 : index
    %get3A_247 = vector.load %arg12[%get3A_245, %get3A_246] : memref<128x48xf32, #tpu.memory_space<vmem>>, vector<128x48xf32>
    %dot_general3A_248 = arith.constant dense<0.000000e+00> : vector<256x48xf32>
    %dot_general3A_249 = tpu.matmul %add3A_244, %get3A_247, %dot_general3A_248 {dimension_numbers = #tpu.dot_dimension_numbers<[1], [0], [0], [1], [0, 0, 1, 1], [], []>, precision = #tpu.contract_precision<fp32>, transpose_lhs_hint = false} : vector<256x128xf32>, vector<128x48xf32>, vector<256x48xf32> -> vector<256x48xf32>
    %convert_element_type3A_250 = arith.fptosi %dot_general3A_249 : vector<256x48xf32> to vector<256x48xi32>
    %swap3A = arith.constant 0 : index
    %swap3A_251 = arith.constant 0 : index
    %swap3A_252 = vector.load %arg13[%swap3A, %swap3A_251] : memref<256x48xi32, #tpu.memory_space<vmem>>, vector<256x48xi32>
    tpu.vector_store %arg13[%swap3A, %swap3A_251], %convert_element_type3A_250 {strides = array<i32>} : memref<256x48xi32, #tpu.memory_space<vmem>>, vector<256x48xi32>,
    %slice3A_253 = vector.extract_strided_slice %mul3A_234 {offsets = [0, 0], sizes = [256, 96], strides = [1, 1]} : vector<256x128xf32> to vector<256x96xf32>
    %swap3A_254 = arith.constant 0 : index
    %swap3A_255 = arith.constant 0 : index
    %swap3A_256 = vector.load %arg14[%swap3A_254, %swap3A_255] : memref<256x96xf32, #tpu.memory_space<vmem>>, vector<256x96xf32>
    tpu.vector_store %arg14[%swap3A_254, %swap3A_255], %slice3A_253 {strides = array<i32>} : memref<256x96xf32, #tpu.memory_space<vmem>>, vector<256x96xf32>,
    return
  }
  func.func @transform_0(%arg0: i32, %arg1: i32) -> (i32, i32, i32) {
    %c0_i32 = arith.constant 0 : i32
    %c0_i32_0 = arith.constant 0 : i32
    return %arg0, %arg1, %c0_i32 : i32, i32, i32
  }
  func.func @transform_1(%arg0: i32, %arg1: i32) -> (i32, i32, i32) {
    %c0_i32 = arith.constant 0 : i32
    %c0_i32_0 = arith.constant 0 : i32
    return %arg0, %arg1, %c0_i32 : i32, i32, i32
  }
  func.func @transform_2(%arg0: i32, %arg1: i32) -> (i32, i32) {
    %c0_i32 = arith.constant 0 : i32
    %c0_i32_0 = arith.constant 0 : i32
    %c0_i32_1 = arith.constant 0 : i32
    return %c0_i32, %c0_i32_0 : i32, i32
  }
  func.func @transform_3(%arg0: i32, %arg1: i32) -> (i32, i32) {
    %c0_i32 = arith.constant 0 : i32
    %c0_i32_0 = arith.constant 0 : i32
    %c0_i32_1 = arith.constant 0 : i32
    return %c0_i32, %c0_i32_0 : i32, i32
  }
  func.func @transform_4(%arg0: i32, %arg1: i32) -> (i32, i32) {
    %c0_i32 = arith.constant 0 : i32
    %c0_i32_0 = arith.constant 0 : i32
    %c0_i32_1 = arith.constant 0 : i32
    return %c0_i32, %c0_i32_0 : i32, i32
  }
  func.func @transform_5(%arg0: i32, %arg1: i32) -> (i32, i32) {
    %c0_i32 = arith.constant 0 : i32
    %c0_i32_0 = arith.constant 0 : i32
    %c0_i32_1 = arith.constant 0 : i32
    return %c0_i32, %c0_i32_0 : i32, i32
  }
  func.func @transform_6(%arg0: i32, %arg1: i32) -> (i32, i32) {
    %c0_i32 = arith.constant 0 : i32
    %c0_i32_0 = arith.constant 0 : i32
    %c0_i32_1 = arith.constant 0 : i32
    return %c0_i32, %c0_i32_0 : i32, i32
  }
  func.func @transform_7(%arg0: i32, %arg1: i32) -> (i32, i32) {
    %c0_i32 = arith.constant 0 : i32
    %c0_i32_0 = arith.constant 0 : i32
    %c0_i32_1 = arith.constant 0 : i32
    return %c0_i32, %c0_i32_0 : i32, i32
  }
  func.func @transform_8(%arg0: i32, %arg1: i32) -> (i32, i32) {
    %c0_i32 = arith.constant 0 : i32
    %c0_i32_0 = arith.constant 0 : i32
    %c0_i32_1 = arith.constant 0 : i32
    return %c0_i32, %c0_i32_0 : i32, i32
  }
  func.func @transform_9(%arg0: i32, %arg1: i32) -> (i32, i32) {
    %c0_i32 = arith.constant 0 : i32
    %c0_i32_0 = arith.constant 0 : i32
    %c0_i32_1 = arith.constant 0 : i32
    return %c0_i32, %c0_i32_0 : i32, i32
  }
  func.func @transform_10(%arg0: i32, %arg1: i32) -> (i32, i32) {
    %c0_i32 = arith.constant 0 : i32
    %c0_i32_0 = arith.constant 0 : i32
    %c0_i32_1 = arith.constant 0 : i32
    return %c0_i32, %c0_i32_0 : i32, i32
  }
  func.func @transform_11(%arg0: i32, %arg1: i32) -> (i32, i32) {
    %mul3A = arith.constant 32 : i32
    %mul3A_0 = arith.muli %arg0, %mul3A : i32
    %add3A = arith.addi %mul3A_0, %arg1 : i32
    %c0_i32 = arith.constant 0 : i32
    %c0_i32_1 = arith.constant 0 : i32
    return %add3A, %c0_i32 : i32, i32
  }
  func.func @transform_12(%arg0: i32, %arg1: i32) -> (i32, i32) {
    %mul3A = arith.constant 32 : i32
    %mul3A_0 = arith.muli %arg0, %mul3A : i32
    %add3A = arith.addi %mul3A_0, %arg1 : i32
    %c0_i32 = arith.constant 0 : i32
    %c0_i32_1 = arith.constant 0 : i32
    return %add3A, %c0_i32 : i32, i32
  }
}

module attributes {stable_mosaic.version = 14 : i64} {
  func.func @_c_body(%arg0: i32, %arg1: memref<2048x128xf32, #tpu.memory_space<vmem>>, %arg2: memref<2048x128xf32, #tpu.memory_space<vmem>>, %arg3: memref<2048x128xf32, #tpu.memory_space<vmem>>, %arg4: memref<2048x128xf32, #tpu.memory_space<vmem>>, %arg5: memref<2048x8xf32, #tpu.memory_space<vmem>>, %arg6: memref<8x512xf32, #tpu.memory_space<vmem>>, %arg7: memref<2048x64xf32, #tpu.memory_space<vmem>>) attributes {dimension_semantics = [#tpu.dimension_semantics<arbitrary>], iteration_bounds = array<i64: 96>, scalar_prefetch = 0 : i64, scratch_operands = 0 : i64, tpu.core_type = #tpu.core_type<tc>, window_params = [{transform_indices = @transform_0, window_bounds = array<i64: 2048, 128>}, {transform_indices = @transform_1, window_bounds = array<i64: 2048, 128>}, {transform_indices = @transform_2, window_bounds = array<i64: 2048, 128>}, {transform_indices = @transform_3, window_bounds = array<i64: 2048, 128>}, {transform_indices = @transform_4, window_bounds = array<i64: 2048, 8>}, {pipeline_mode = #tpu.pipeline_mode<synchronous>, transform_indices = @transform_5, window_bounds = array<i64: 8, 512>}, {transform_indices = @transform_6, window_bounds = array<i64: 2048, 64>}]} {
    %get3A = arith.constant 0 : index
    %get3A_0 = arith.constant 0 : index
    %get3A_1 = vector.load %arg5[%get3A, %get3A_0] : memref<2048x8xf32, #tpu.memory_space<vmem>>, vector<2048x8xf32>
    %get3A_2 = arith.constant 0 : index
    %get3A_3 = arith.constant 0 : index
    %get3A_4 = vector.load %arg6[%get3A_2, %get3A_3] : memref<8x512xf32, #tpu.memory_space<vmem>>, vector<8x512xf32>
    %broadcast_in_dim3A = arith.constant 0.000000e+00 : f32
    %broadcast_in_dim3A_5 = vector.broadcast %broadcast_in_dim3A : f32 to vector<2048x128xf32>
    %slice3A = vector.extract_strided_slice %get3A_4 {offsets = [0, 0], sizes = [8, 128], strides = [1, 1]} : vector<8x512xf32> to vector<8x128xf32>
    %dot_general3A = arith.constant dense<0.000000e+00> : vector<2048x128xf32>
    %dot_general3A_6 = tpu.matmul %get3A_1, %slice3A, %dot_general3A {dimension_numbers = #tpu.dot_dimension_numbers<[1], [0], [0], [1], [0, 0, 1, 1], [], []>, precision = #tpu.contract_precision<fp32>, transpose_lhs_hint = false} : vector<2048x8xf32>, vector<8x128xf32>, vector<2048x128xf32> -> vector<2048x128xf32>
    %get3A_7 = arith.constant 0 : index
    %get3A_8 = arith.constant 0 : index
    %get3A_9 = vector.load %arg1[%get3A_7, %get3A_8] : memref<2048x128xf32, #tpu.memory_space<vmem>>, vector<2048x128xf32>
    %mul3A = arith.mulf %get3A_9, %dot_general3A_6 : vector<2048x128xf32>
    %add3A = arith.addf %broadcast_in_dim3A_5, %mul3A : vector<2048x128xf32>
    %slice3A_10 = vector.extract_strided_slice %get3A_4 {offsets = [0, 128], sizes = [8, 128], strides = [1, 1]} : vector<8x512xf32> to vector<8x128xf32>
    %dot_general3A_11 = arith.constant dense<0.000000e+00> : vector<2048x128xf32>
    %dot_general3A_12 = tpu.matmul %get3A_1, %slice3A_10, %dot_general3A_11 {dimension_numbers = #tpu.dot_dimension_numbers<[1], [0], [0], [1], [0, 0, 1, 1], [], []>, precision = #tpu.contract_precision<fp32>, transpose_lhs_hint = false} : vector<2048x8xf32>, vector<8x128xf32>, vector<2048x128xf32> -> vector<2048x128xf32>
    %get3A_13 = arith.constant 0 : index
    %get3A_14 = arith.constant 0 : index
    %get3A_15 = vector.load %arg2[%get3A_13, %get3A_14] : memref<2048x128xf32, #tpu.memory_space<vmem>>, vector<2048x128xf32>
    %mul3A_16 = arith.mulf %get3A_15, %dot_general3A_12 : vector<2048x128xf32>
    %add3A_17 = arith.addf %add3A, %mul3A_16 : vector<2048x128xf32>
    %slice3A_18 = vector.extract_strided_slice %get3A_4 {offsets = [0, 256], sizes = [8, 128], strides = [1, 1]} : vector<8x512xf32> to vector<8x128xf32>
    %dot_general3A_19 = arith.constant dense<0.000000e+00> : vector<2048x128xf32>
    %dot_general3A_20 = tpu.matmul %get3A_1, %slice3A_18, %dot_general3A_19 {dimension_numbers = #tpu.dot_dimension_numbers<[1], [0], [0], [1], [0, 0, 1, 1], [], []>, precision = #tpu.contract_precision<fp32>, transpose_lhs_hint = false} : vector<2048x8xf32>, vector<8x128xf32>, vector<2048x128xf32> -> vector<2048x128xf32>
    %get3A_21 = arith.constant 0 : index
    %get3A_22 = arith.constant 0 : index
    %get3A_23 = vector.load %arg3[%get3A_21, %get3A_22] : memref<2048x128xf32, #tpu.memory_space<vmem>>, vector<2048x128xf32>
    %mul3A_24 = arith.mulf %get3A_23, %dot_general3A_20 : vector<2048x128xf32>
    %add3A_25 = arith.addf %add3A_17, %mul3A_24 : vector<2048x128xf32>
    %slice3A_26 = vector.extract_strided_slice %get3A_4 {offsets = [0, 384], sizes = [8, 128], strides = [1, 1]} : vector<8x512xf32> to vector<8x128xf32>
    %dot_general3A_27 = arith.constant dense<0.000000e+00> : vector<2048x128xf32>
    %dot_general3A_28 = tpu.matmul %get3A_1, %slice3A_26, %dot_general3A_27 {dimension_numbers = #tpu.dot_dimension_numbers<[1], [0], [0], [1], [0, 0, 1, 1], [], []>, precision = #tpu.contract_precision<fp32>, transpose_lhs_hint = false} : vector<2048x8xf32>, vector<8x128xf32>, vector<2048x128xf32> -> vector<2048x128xf32>
    %get3A_29 = arith.constant 0 : index
    %get3A_30 = arith.constant 0 : index
    %get3A_31 = vector.load %arg4[%get3A_29, %get3A_30] : memref<2048x128xf32, #tpu.memory_space<vmem>>, vector<2048x128xf32>
    %mul3A_32 = arith.mulf %get3A_31, %dot_general3A_28 : vector<2048x128xf32>
    %add3A_33 = arith.addf %add3A_25, %mul3A_32 : vector<2048x128xf32>
    %slice3A_34 = vector.extract_strided_slice %add3A_33 {offsets = [0, 0], sizes = [2048, 64], strides = [1, 1]} : vector<2048x128xf32> to vector<2048x64xf32>
    %slice3A_35 = vector.extract_strided_slice %add3A_33 {offsets = [0, 64], sizes = [2048, 64], strides = [1, 1]} : vector<2048x128xf32> to vector<2048x64xf32>
    %add3A_36 = arith.addf %slice3A_34, %slice3A_35 : vector<2048x64xf32>
    %swap3A = arith.constant 0 : index
    %swap3A_37 = arith.constant 0 : index
    %swap3A_38 = vector.load %arg7[%swap3A, %swap3A_37] : memref<2048x64xf32, #tpu.memory_space<vmem>>, vector<2048x64xf32>
    tpu.vector_store %arg7[%swap3A, %swap3A_37], %add3A_36 {strides = array<i32>} : memref<2048x64xf32, #tpu.memory_space<vmem>>, vector<2048x64xf32>,
    return
  }
  func.func @transform_0(%arg0: i32) -> (i32, i32) {
    %add3A = arith.constant 0 : i32
    %add3A_0 = arith.addi %add3A, %arg0 : i32
    %c0_i32 = arith.constant 0 : i32
    %c0_i32_1 = arith.constant 0 : i32
    return %add3A_0, %c0_i32 : i32, i32
  }
  func.func @transform_1(%arg0: i32) -> (i32, i32) {
    %add3A = arith.constant 96 : i32
    %add3A_0 = arith.addi %add3A, %arg0 : i32
    %c0_i32 = arith.constant 0 : i32
    %c0_i32_1 = arith.constant 0 : i32
    return %add3A_0, %c0_i32 : i32, i32
  }
  func.func @transform_2(%arg0: i32) -> (i32, i32) {
    %add3A = arith.constant 192 : i32
    %add3A_0 = arith.addi %add3A, %arg0 : i32
    %c0_i32 = arith.constant 0 : i32
    %c0_i32_1 = arith.constant 0 : i32
    return %add3A_0, %c0_i32 : i32, i32
  }
  func.func @transform_3(%arg0: i32) -> (i32, i32) {
    %add3A = arith.constant 288 : i32
    %add3A_0 = arith.addi %add3A, %arg0 : i32
    %c0_i32 = arith.constant 0 : i32
    %c0_i32_1 = arith.constant 0 : i32
    return %add3A_0, %c0_i32 : i32, i32
  }
  func.func @transform_4(%arg0: i32) -> (i32, i32) {
    %c0_i32 = arith.constant 0 : i32
    %c0_i32_0 = arith.constant 0 : i32
    return %arg0, %c0_i32 : i32, i32
  }
  func.func @transform_5(%arg0: i32) -> (i32, i32) {
    %c0_i32 = arith.constant 0 : i32
    %c0_i32_0 = arith.constant 0 : i32
    %c0_i32_1 = arith.constant 0 : i32
    return %c0_i32, %c0_i32_0 : i32, i32
  }
  func.func @transform_6(%arg0: i32) -> (i32, i32) {
    %c0_i32 = arith.constant 0 : i32
    %c0_i32_0 = arith.constant 0 : i32
    return %arg0, %c0_i32 : i32, i32
  }
}

module attributes {stable_mosaic.version = 14 : i64} {
  func.func @_o_body(%arg0: i32, %arg1: memref<256x768xf32, #tpu.memory_space<vmem>>, %arg2: memref<768x768xf32, #tpu.memory_space<vmem>>, %arg3: memref<1x768xf32, #tpu.memory_space<vmem>>, %arg4: memref<256x768xf32, #tpu.memory_space<vmem>>) attributes {dimension_semantics = [#tpu.dimension_semantics<arbitrary>], iteration_bounds = array<i64: 64>, scalar_prefetch = 0 : i64, scratch_operands = 0 : i64, tpu.core_type = #tpu.core_type<tc>, window_params = [{transform_indices = @transform_0, window_bounds = array<i64: 256, 768>}, {pipeline_mode = #tpu.pipeline_mode<synchronous>, transform_indices = @transform_1, window_bounds = array<i64: 768, 768>}, {pipeline_mode = #tpu.pipeline_mode<synchronous>, transform_indices = @transform_2, window_bounds = array<i64: 1, 768>}, {transform_indices = @transform_3, window_bounds = array<i64: 256, 768>}]} {
    %get3A = arith.constant 0 : index
    %get3A_0 = arith.constant 0 : index
    %get3A_1 = vector.load %arg1[%get3A, %get3A_0] : memref<256x768xf32, #tpu.memory_space<vmem>>, vector<256x768xf32>
    %get3A_2 = arith.constant 0 : index
    %get3A_3 = arith.constant 0 : index
    %get3A_4 = vector.load %arg2[%get3A_2, %get3A_3] : memref<768x768xf32, #tpu.memory_space<vmem>>, vector<768x768xf32>
    %dot_general3A = arith.constant dense<0.000000e+00> : vector<256x768xf32>
    %dot_general3A_5 = tpu.matmul %get3A_1, %get3A_4, %dot_general3A {dimension_numbers = #tpu.dot_dimension_numbers<[1], [0], [0], [1], [0, 0, 1, 1], [], []>, transpose_lhs_hint = false} : vector<256x768xf32>, vector<768x768xf32>, vector<256x768xf32> -> vector<256x768xf32>
    %get3A_6 = arith.constant 0 : index
    %get3A_7 = arith.constant 0 : index
    %get3A_8 = vector.load %arg3[%get3A_6, %get3A_7] : memref<1x768xf32, #tpu.memory_space<vmem>>, vector<1x768xf32>
    %add3A = vector.broadcast %get3A_8 : vector<1x768xf32> to vector<256x768xf32>
    %add3A_9 = arith.addf %dot_general3A_5, %add3A : vector<256x768xf32>
    %swap3A = arith.constant 0 : index
    %swap3A_10 = arith.constant 0 : index
    %swap3A_11 = vector.load %arg4[%swap3A, %swap3A_10] : memref<256x768xf32, #tpu.memory_space<vmem>>, vector<256x768xf32>
    tpu.vector_store %arg4[%swap3A, %swap3A_10], %add3A_9 {strides = array<i32>} : memref<256x768xf32, #tpu.memory_space<vmem>>, vector<256x768xf32>,
    return
  }
  func.func @transform_0(%arg0: i32) -> (i32, i32) {
    %c0_i32 = arith.constant 0 : i32
    %c0_i32_0 = arith.constant 0 : i32
    return %arg0, %c0_i32 : i32, i32
  }
  func.func @transform_1(%arg0: i32) -> (i32, i32) {
    %c0_i32 = arith.constant 0 : i32
    %c0_i32_0 = arith.constant 0 : i32
    %c0_i32_1 = arith.constant 0 : i32
    return %c0_i32, %c0_i32_0 : i32, i32
  }
  func.func @transform_2(%arg0: i32) -> (i32, i32) {
    %c0_i32 = arith.constant 0 : i32
    %c0_i32_0 = arith.constant 0 : i32
    %c0_i32_1 = arith.constant 0 : i32
    return %c0_i32, %c0_i32_0 : i32, i32
  }
  func.func @transform_3(%arg0: i32) -> (i32, i32) {
    %c0_i32 = arith.constant 0 : i32
    %c0_i32_0 = arith.constant 0 : i32
    return %arg0, %c0_i32 : i32, i32
  }
}

</mosaic_0001>

<sc_bundles>
// kernel: kernel.7.cloned.1.call-start
scs
__scs_entry_jumppad:
0x0: {  	(pc) =	sbr.rel $0x88, $3  }
0x1: {  	(tag) =	ssettag $0x0;
	lr =	simm.s32 $0x1  }
0x2: {  	[smem:$0x3F8E] =	sst lr;
	_ =	strace $0xD0000000  }
0x3: {  	_ = 	snop  }
0x4: {  	_ = 	snop  }
0x5: {  	_ = 	snop  }
0x6: {  	_ = 	snop  }
0x7: {  	_ = 	snop  }
__scs_overlays_trampoline_lowered:
0x8: {  	[smem:$0x3F9D] =	sst s0  }
0x9: {  	[smem:$0x3F9E] =	sst s1  }
0xa: {  	[smem:$0x3F9F] =	sst s2  }
0xb: {  	[smem:$0x3FA0] =	sst s3  }
0xc: {  	[smem:$0x3FA1] =	sst s4  }
0xd: {  	[smem:$0x3FA2] =	sst s5  }
0xe: {  	[smem:$0x3FA3] =	sst s6  }
0xf: {  	[smem:$0x3FA4] =	sst s7  }
0x10: {  	[smem:$0x3FA5] =	sst s8  }
0x11: {  	[smem:$0x3FA6] =	sst s9;
	s0 =	simm.s32 @!p0 $0x0  }
0x12: {  	s1 =	sld [smem:$0x3F8C];
	s0 =	simm.s32 @p0 $0x1  }
0x13: {  	[smem:$0x3FA7] =	sst s0;
	s0 =	simm.s32 @!p1 $0x0  }
0x14: {  	s2 =	sld [smem:$0x3F8B];
	s0 =	simm.s32 @p1 $0x1  }
0x15: {  	[smem:$0x3FA8] =	sst s0;
	s0 =	simm.s32 @!p2 $0x0  }
0x16: {  	s3 =	sld [smem:$0x3FDB];
	s0 =	simm.s32 @p2 $0x1  }
0x17: {  	s4 =	simm.s32 $0x1BF5;
	[smem:$0x3FAA] =	sst s0  }
0x18: {  	s0 =	sld [smem:$0x3F8D];
	_ =	swait.ge [sflag:s4], $0x0  }
0x19: {  	s7 =	sld [smem:$0x3F8E]  }
0x1a: {  	s8 =	sadd.s32 $0xFFFFE003, lr  }
0x1b: {  	s9 =	sadd.s32 $0xFFFFFEF7, lr;
	s5 =	simm.s32 $0xFFFFFFFF;
	p2 =	slt.u32 s8, $0xFFFFF086  }
0x1c: {  	p1 =	slt.u32 s9, $0xF7A;
	s5 =	simm.s32 @!p2 $0x0  }
0x1d: {  	s5 =	simm.s32 @p1 $0x1;
	p0 =	seq.s32 s7, s2  }
0x1e: {  	s7 =	smul.u32 @!p0 $0xF7A, s2;
	p2 =	seq.s32 @!p0 s5, $0x0  }
0x1f: {  	s9 =	smul.u32 $0xF7A, s1;
	s8 =	simm.s32 @!p0 $0x1BF5;
	p2 =	por !p2, p0  }
0x20: {  	[sflag:s8] =	ssyncset.s32 @!p0 $0xFFFFF086;
	s6 =	sadd.s32 @!p0 s3, s7;
	s7 =	simm.s32 @!p0 $0x108  }
0x21: {  	s3 =	sadd.s32 s3, s9;
	s6 =	sadd.s32 @!p0 $0x88, s6;
	s7 =	simm.s32 @p2 $0x1082  }
0x22: {  	[simem:s7], [sflag:s8] =	dma.local @!p0 [hbm:s6], $0xF7A  }
0x23: {  	s9 =	sor.u32 $0xD0000000, s2;
	s6 =	simm.s32 $0x108;
	_ =	swait.ge @!p0 [sflag:s8], $0x0  }
0x24: {  	s3 =	sadd.s32 $0x88, s3;
	s6 =	simm.s32 @!p1 $0x1082;
	[sflag:s4] =	ssyncset.s32 $0xFFFFF086  }
0x25: {  	[simem:s6], [sflag:s4] =	dma.local [hbm:s3], $0xF7A  }
0x26: {  	[smem:$0x3F8E] =	sst s1;
	(tag) =	ssettag s2;
	_ =	strace s9  }
0x27: {  	s1 =	sld [smem:$0x3F9E]  }
0x28: {  	s2 =	sld [smem:$0x3F9F]  }
0x29: {  	s4 =	sld [smem:$0x3FA1]  }
0x2a: {  	p0 =	seq.s32 s5, $0x0;
	s5 =	sld [smem:$0x3FA2]  }
0x2b: {  	s6 =	sld [smem:$0x3FA3]  }
0x2c: {  	s7 =	sld [smem:$0x3FA4]  }
0x2d: {  	s3 =	simm.s32 $0x108;
	s8 =	sld [smem:$0x3FA5]  }
0x2e: {  	s3 =	simm.s32 @!p0 $0x1082;
	s9 =	sld [smem:$0x3FA6]  }
0x2f: {  	lr =	sadd.s32 s0, s3;
	s0 =	sld [smem:$0x3F9D]  }
0x30: {  	s3 =	sld [smem:$0x3FA0]  }
0x31: {  	[smem:$0x3FA9] =	sst s10  }
0x32: {  	s10 =	sld [smem:$0x3FA7];
	_ =	sdelay $0x3  }
0x33: {  	p0 =	seq.s32 s10, $0x1;
	s10 =	sld [smem:$0x3FA9];
	_ =	sdelay $0x3  }
0x34: {  	[smem:$0x3FA9] =	sst s10  }
0x35: {  	s10 =	sld [smem:$0x3FA8];
	_ =	sdelay $0x3  }
0x36: {  	p1 =	seq.s32 s10, $0x1;
	s10 =	sld [smem:$0x3FA9];
	_ =	sdelay $0x3  }
0x37: {  	[smem:$0x3FA9] =	sst s10  }
0x38: {  	s10 =	sld [smem:$0x3FAA]  }
0x39: {  	_ = 	snop;
	(pc) =	sbr.ind lr, $3  }
0x3a: {  	_ = 	snop  }
0x3b: {  	_ = 	snop  }
0x3c: {  	p2 =	seq.s32 s10, $0x1;
	s10 =	sld [smem:$0x3FA9]  }
0x3d: {  	_ =	shalt  }
0x3e: {  	_ =	shalt  }
0x3f: {  	_ =	shalt  }
0x40: {  	_ =	shalt  }
0x41: {  	_ =	shalt  }
0x42: {  	_ =	shalt  }
0x43: {  	_ =	shalt  }
0x44: {  	_ =	shalt  }
0x45: {  	_ =	shalt  }
0x46: {  	_ =	shalt  }
0x47: {  	_ =	shalt  }
0x48: {  	_ =	shalt  }
0x49: {  	_ =	shalt  }
0x4a: {  	_ =	shalt  }
0x4b: {  	_ =	shalt  }
0x4c: {  	_ =	shalt  }
0x4d: {  	_ =	shalt  }
0x4e: {  	_ =	shalt  }
0x4f: {  	_ =	shalt  }
0x50: {  	_ =	shalt  }
0x51: {  	_ =	shalt  }
0x52: {  	_ =	shalt  }
0x53: {  	_ =	shalt  }
0x54: {  	_ =	shalt  }
0x55: {  	_ =	shalt  }
0x56: {  	_ =	shalt  }
0x57: {  	_ =	shalt  }
0x58: {  	_ =	shalt  }
0x59: {  	_ =	shalt  }
0x5a: {  	_ =	shalt  }
0x5b: {  	_ =	shalt  }
0x5c: {  	_ =	shalt  }
0x5d: {  	_ =	shalt  }
0x5e: {  	_ =	shalt  }
0x5f: {  	_ =	shalt  }
0x60: {  	_ =	shalt  }
0x61: {  	_ =	shalt  }
0x62: {  	_ =	shalt  }
0x63: {  	_ =	shalt  }
0x64: {  	_ =	shalt  }
0x65: {  	_ =	shalt  }
0x66: {  	_ =	shalt  }
0x67: {  	_ =	shalt  }
0x68: {  	_ =	shalt  }
0x69: {  	_ =	shalt  }
0x6a: {  	_ =	shalt  }
0x6b: {  	_ =	shalt  }
0x6c: {  	_ =	shalt  }
0x6d: {  	_ =	shalt  }
0x6e: {  	_ =	shalt  }
0x6f: {  	_ =	shalt  }
0x70: {  	_ =	shalt  }
0x71: {  	_ =	shalt  }
0x72: {  	_ =	shalt  }
0x73: {  	_ =	shalt  }
0x74: {  	_ =	shalt  }
0x75: {  	_ =	shalt  }
0x76: {  	_ =	shalt  }
0x77: {  	_ =	shalt  }
0x78: {  	_ =	shalt  }
0x79: {  	_ =	shalt  }
0x7a: {  	_ =	shalt  }
0x7b: {  	_ =	shalt  }
0x7c: {  	_ =	shalt  }
0x7d: {  	_ =	shalt  }
0x7e: {  	_ =	shalt  }
0x7f: {  	_ =	shalt  }
0x80: {  	_ =	shalt  }
0x81: {  	_ =	shalt  }
0x82: {  	_ =	shalt  }
0x83: {  	_ =	shalt  }
0x84: {  	_ =	shalt  }
0x85: {  	_ =	shalt  }
0x86: {  	_ =	shalt  }
0x87: {  	_ =	shalt  }
.Lfunc_end0:
.L_simem_size_0:
called_computation.1_lowered:
.L_overlay_start_0:
0x88: {  	s2 =	sld [smem:$0x3FD9]  }
0x89: {  	s3 =	sld [smem:$0x3FFE];
	_ =	sdelay $0x1  }
0x8a: {  	s1 =	srdreg.scid  }
0x8b: {  	s0 =	sand.u32 $0x1, s1  }
0x8c: {  	s16 =	sshll.u32 s0, $0xA;
	s2 =	sadd.s32 s3, s2  }
0x8d: {  	s2 =	sadd.s32 s2, s16  }
0x8e: {  	[smem:$0x3FB5] =	sst s2  }
0x8f: {  	_ = 	snop  }
0x90: {  	(tm) =	ssettm $0x1  }
0x91: {  	s17 =	sld [smem:$0x3FFB];
	_ =	sdelay $0x3  }
0x92: {  	_ =	strace s17  }
0x93: {  	s2 =	sld [smem:$0x3FFC];
	_ =	sdelay $0x3  }
0x94: {  	_ =	strace s2  }
0x95: {  	s2 =	sld [smem:$0x3FFD];
	_ =	sdelay $0x3  }
0x96: {  	_ =	strace s2  }
0x97: {  	_ =	strace $0x8FFFFFFF  }
0x98: {  	s18 =	sld [smem:$0x3FDB];
	_ =	sdelay $0x1  }
0x99: {  	s19 =	simm.s32 $_scs_section_size  }
0x9a: {  	s4 =	simm.s32 $_size__tile_overlayer_lowered;
	s5 =	simm.s32 $_tile_overlayer_lowered  }
0x9b: {  	s22 =	simm.s32 $0x1BFF;
	s21 =	sshll.u32 s5, $0x1;
	s2 =	sadd.s32 s19, s18  }
0x9c: {  	s6 =	simm.s32 $0x0;
	s20 =	sshll.u32 s4, $0x1;
	s4 =	sadd.s32 s21, s2  }
0x9d: {  	[timem:s6], [sflag:s22] =	dma.local [hbm:s4], s20  }
0x9e: {  	_ =	swait.ge [sflag:s22], s20  }
0x9f: {  	s3 =	ssub.s32 $0x0, s20;
	[sflag:s22] =	ssyncset.done $0x0  }
0xa0: {  	[sflag:s22] =	ssyncadd.s32 s3;
	_ =	sdelay $0x1  }
0xa1: {  	s23 =	simm.s32 $0x1B8B  }
0xa2: {  	_ =	swait.ge [sflag:s23], $0x1  }
0xa3: {  	[sflag:s23] =	ssyncset.done $0x0  }
0xa4: {  	s25 =	simm.s32 $0x1B8E;
	s24 =	sld [smem:$0x3FFE];
	[sflag:s23] =	ssyncadd.s32 $0xFFFFFFFF  }
0xa5: {  	s26 =	simm.s32 $execute0_lowered;
	[smem:$0x3FD2] =	sst s25  }
0xa6: {  	s4 =	sshll.u32 s26, $0x1;
	_ =	strace $0x80000049;
	[dreg:$0x1] =	wrdreg $0xFFFFFFFF  }
0xa7: {  	s28 =	simm.s32 $_size_execute0_lowered;
	s2 =	sadd.s32 s2, s4;
	[dreg:$0x0] =	wrdreg $0x0  }
0xa8: {  	s4 =	sshll.u32 s28, $0x1;
	[dreg:$0x2] =	wrdreg s2  }
0xa9: {  	[dreg:$0x3] =	wrdreg s4  }
0xaa: {  	[dreg:$0x4] =	wrdreg $0xC0  }
0xab: {  	_ =	task [dreg:s6], $0x5FFFF  }
0xac: {  	[dreg:$0x1] =	wrdreg $0xFFFFFFFF  }
0xad: {  	[dreg:$0x0] =	wrdreg $0x60  }
0xae: {  	[dreg:$0x2] =	wrdreg s24  }
0xaf: {  	[dreg:$0x3] =	wrdreg $0x9  }
0xb0: {  	_ =	task.clear_ibuf [dreg:s6], $0x4FFFF;
	_ =	strace $0x90000049  }
0xb1: {  	s29 =	simm.s32 $0x9;
	_ =	strace $0x8000004B  }
0xb2: {  	_ =	swait.ge [sflag:s29], $0x1  }
0xb3: {  	[sflag:s29] =	ssyncadd.s32 $0xFFFFFFFF  }
0xb4: {  	_ =	strace $0x9000004B  }
0xb5: {  	_ =	sfence  }
0xb6: {  	s30 =	sld [smem:$0x0];
	_ =	sdelay $0x2  }
0xb7: {  	s31 =	sshll.u32 s1, $0xD;
	s1 =	sshrl.u32 s1, $0x2  }
0xb8: {  	s3 =	sand.u32 $0x4000, s31;
	s1 =	sadd.s32 s1, s30  }
0xb9: {  	s0 =	sor.u32 s3, s0;
	s1 =	sshll.u32 s1, $0x11  }
0xba: {  	s0 =	sor.u32 s1, s0  }
0xbb: {  	s0 =	sadd.s32 $0x8F2B, s0  }
0xbc: {  	[sflag:s0] =	ssyncadd.remote.s32 $0x1  }
0xbd: {  	_ =	sfence.sel $0xFFFF  }
0xbe: {  	[dreg:$0x0] =	wrdreg $0xFFFFFFFF;
	(pc) =	sbr.abs _section_cstart, $3  }
0xbf: {  	[dreg:$0x1] =	wrdreg $0xFFFFFFFF  }
0xc0: {  	_ =	task.clear_ibuf [dreg:s6], $0x2FFFF;
	_ =	strace $0x9FFFFFFF  }
0xc1: {  	(tm) =	ssettm $0x7FFFFFFF  }
tec
execute0_lowered:
.L_overlay_start_1:
0x0: {  	(tag) =	ssettag $0x1  }
0x1: {  	s4 =	rddreg [dreg:$0x0]  }
0x2: {  	s3 =	srdreg.scid;
	s0 =	stileid.u32  }
0x3: {  	s2 =	simm.s32 $0x0;
	s17 =	simm.s32 $0x200;
	s18 =	simm.s32 $0x4200  }
0x4: {  	s19 =	simm.s32 $0x3;
	s21 =	simm.s32 $0x8200;
	s22 =	simm.s32 $0xC200  }
0x5: {  	s23 =	simm.s32 $0x5;
	s7 =	sand.u32 $0x1, s3;
	s10 =	smul.u32 $0xC000, s0  }
0x6: {  	s24 =	sshll.u32 s0, $0x1;
	[smem:$0x7FF] =	sst s2;
	s14 =	smul.u32 $0x600000, s0  }
0x7: {  	s3 =	sadd.s32 $0x65B000, s4;
	s11 =	sadd.s32 $0x43000, s4;
	s13 =	smul.u32 $0x6000, s7  }
0x8: {  	s12 =	sadd.s32 $0xC5B000, s4;
	s5 =	sor.u32 s7, s24;
	s16 =	smul.u32 $0x300000, s7  }
0x9: {  	_ =	strace $0x8000004A;
	s25 =	ssub.s32 $0x2, s7;
	s6 =	smul.u32 $0x6000, s5  }
0xa: {  	s24 =	simm.s32 $0x6;
	s9 =	smul.u32 $0x300000, s5;
	s8 =	sshrl.u32 s25, $0x1  }
0xb: {  	s8 =	ssub.s32 s25, s8;
	s10 =	sadd.s32 s13, s10;
	s28 =	sadd.s32 s16, s14  }
0xc: {  	s14 =	simm.s32 $0x80;
	s16 =	simm.s32 $0x1;
	s25 =	simm.s32 $0x0  }
0xd: {  	s26 =	sshrl.u32 s6, $0x3;
	s15 =	sor.u32 $0x200, s6;
	s6 =	smax.u32 s8, $0x1  }
0xe: {  	s9 =	sshrl.u32 s9, $0x3;
	s30 =	sor.u32 $0x300, s10;
	s13 =	sor.u32 $0x8000, s28  }
.Ltmp0:
0xf: {  	s4 =	sadd.s32 s11, s26;
	s9 =	sadd.s32 s12, s9;
	(pc) =	sbr.rel .LBB2_1-.Ltmp0, $4  }
0x10: {  	s29 =	sshrl.u32 s15, $0x3;
	s31 =	sshrl.u32 s30, $0x3;
	s13 =	sshrl.u32 s13, $0x3  }
0x11: {  	s15 =	simm.s32 $0x180;
	s5 =	sadd.s32 $0x20, s4;
	s7 =	sadd.s32 $0x10, s4  }
0x12: {  	s8 =	sadd.s32 $0x30, s4;
	s10 =	sadd.s32 s11, s29;
	s11 =	sadd.s32 s31, s11  }
0x13: {  	s12 =	sadd.s32 s13, s12;
	s13 =	simm.s32 $0x100;
	s20 =	sadd.s32 $0x10, s10  }
.LBB2_6:
0x14: {  	s25 =	sadd.s32 $0x1, s25  }
0x15: {  	_ =	swait.ge [sflag:s23], $0x8000;
	p0 =	sne.s32 s25, s6  }
.Ltmp1:
0x16: {  	[sflag:s23] =	ssyncset.done $0x0;
	(pc) =	sbr.rel @!p0 .LBB2_7-.Ltmp1, $4  }
0x17: {  	[sflag:s23] =	ssyncadd.s32 $0xFFFF8000  }
0x18: {  	_ =	swait.ge [sflag:s24], $0x8000  }
0x19: {  	[sflag:s24] =	ssyncset.done $0x0  }
0x1a: {  	[sflag:s24] =	ssyncadd.s32 $0xFFFF8000  }
.LBB2_1:
0x1b: {  	[tilespmem:s2], [sflag:$0x1] =	stream.linear.gather [hbm4b:s4+s2], $0x80, $0x38;
	[tilespmem:$0x10200] =	vst v63  }
0x1c: {  	_ = 	snop  }
0x1d: {  	[tilespmem:s13], [sflag:$0x1] =	stream.linear.gather [hbm4b:s7+s2], $0x80, $0x38;
	[tilespmem:$0x10200] =	vst v63  }
0x1e: {  	_ = 	snop  }
0x1f: {  	[tilespmem:s14], [sflag:$0x2] =	stream.linear.gather [hbm4b:s5+s2], $0x80, $0x38;
	[tilespmem:$0x10200] =	vst v63  }
0x20: {  	_ = 	snop  }
0x21: {  	[tilespmem:s15], [sflag:$0x2] =	stream.linear.gather [hbm4b:s8+s2], $0x80, $0x38;
	[tilespmem:$0x10200] =	vst v63  }
0x22: {  	_ =	swait.ge [sflag:s16], $0x100  }
0x23: {  	[sflag:s16] =	ssyncset.done $0x0  }
0x24: {  	[sflag:s16] =	ssyncadd.s32 $0xFFFFFF00  }
0x25: {  	[tilespmem:s17], [sflag:$0x3] =	stream.indirect.gather [hbm4b:s3+s14], $0x80, s2, s14, $0xb8;
	[tilespmem:$0x10200] =	vst v63  }
0x26: {  	_ = 	snop  }
0x27: {  	[tilespmem:s18], [sflag:$0x3] =	stream.indirect.gather [hbm4b:s3+s14], $0x80, s13, s14, $0xb8;
	[tilespmem:$0x10200] =	vst v63  }
0x28: {  	_ =	swait.ge [sflag:s19], $0x4000  }
0x29: {  	[sflag:s19] =	ssyncset.done $0x0  }
0x2a: {  	[sflag:s19] =	ssyncadd.s32 $0xFFFFC000  }
0x2b: {  	_ =	swait.ge [sflag:s19], $0x4000  }
0x2c: {  	[sflag:s19] =	ssyncset.done $0x0  }
0x2d: {  	[sflag:s19] =	ssyncadd.s32 $0xFFFFC000  }
0x2e: {  	[hbm4b:s9+s2] =	stream.linear.scatter [tilespmem:s17], [sflag:$0x5], $0x8000, $0x38;
	[tilespmem:$0x10200] =	vst v63  }
0x2f: {  	_ = 	snop  }
0x30: {  	[tilespmem:s2], [sflag:$0x1] =	stream.linear.gather [hbm4b:s10+s2], $0x80, $0x38;
	[tilespmem:$0x10200] =	vst v63  }
0x31: {  	s26 =	simm.s32 $0x2  }
0x32: {  	[tilespmem:s13], [sflag:$0x1] =	stream.linear.gather [hbm4b:s20+s2], $0x80, $0x38;
	[tilespmem:$0x10200] =	vst v63  }
0x33: {  	_ =	swait.ge [sflag:s26], $0x100  }
.Ltmp2:
0x34: {  	[sflag:s26] =	ssyncset.done $0x0;
	(pc) =	sbr.rel .LBB2_2-.Ltmp2, $4  }
0x35: {  	[sflag:s26] =	ssyncadd.s32 $0xFFFFFF00  }
0x36: {  	[tilespmem:s21], [sflag:$0x4] =	stream.indirect.gather [hbm4b:s3+s14], $0x80, s14, s14, $0xb8;
	[tilespmem:$0x10200] =	vst v63  }
0x37: {  	s28 =	smov.u32 s12;
	s29 =	smov.u32 s11  }
0x38: {  	[tilespmem:s22], [sflag:$0x4] =	stream.indirect.gather [hbm4b:s3+s14], $0x80, s15, s14, $0xb8;
	[tilespmem:$0x10200] =	vst v63  }
.LBB2_3:
0x39: {  	s0 =	sadd.s32 $0x1, s30;
	s1 =	sshll.u32 s30, $0x7  }
0x3a: {  	[tilespmem:s1], [sflag:s0] =	stream.linear.gather [hbm4b:s29+s2], $0x80, $0x38;
	[tilespmem:$0x10200] =	vst v63  }
0x3b: {  	s31 =	sadd.s32 $0x10, s29;
	s1 =	sor.u32 $0x100, s1  }
0x3c: {  	[tilespmem:s1], [sflag:s0] =	stream.linear.gather [hbm4b:s31+s2], $0x80, $0x38;
	[tilespmem:$0x10200] =	vst v63  }
.LBB2_5:
0x3d: {  	s0 =	sand.u32 $0x1, s26  }
0x3e: {  	s1 =	sadd.s32 $0x1, s0  }
0x3f: {  	_ =	swait.ge [sflag:s1], $0x100  }
0x40: {  	s26 =	sadd.s32 $0x1, s26;
	[sflag:s1] =	ssyncset.done $0x0  }
0x41: {  	s29 =	sadd.s32 $0x20, s29;
	s30 =	sadd.s32 $0x5, s0;
	[sflag:s1] =	ssyncadd.s32 $0xFFFFFF00  }
0x42: {  	s31 =	sshll.u32 s0, $0x7;
	p0 =	sne.s32 s26, $0x61;
	_ =	swait.ge [sflag:s30], $0x8000  }
.Ltmp3:
0x43: {  	s1 =	sshll.u32 s0, $0xF;
	[sflag:s30] =	ssyncset.done $0x0;
	(pc) =	sbr.rel @!p0 .LBB2_6-.Ltmp3, $4  }
0x44: {  	s0 =	sadd.s32 $0x3, s0;
	[sflag:s30] =	ssyncadd.s32 $0xFFFF8000;
	s30 =	sor.u32 $0x200, s1  }
0x45: {  	[tilespmem:s30], [sflag:s0] =	stream.indirect.gather [hbm4b:s3+s14], $0x80, s31, s14, $0xb8;
	[tilespmem:$0x10200] =	vst v63  }
0x46: {  	s28 =	sadd.s32 $0x1000, s28;
	s1 =	sor.u32 $0x4200, s1;
	s31 =	sor.u32 $0x100, s31  }
0x47: {  	[tilespmem:s1], [sflag:s0] =	stream.indirect.gather [hbm4b:s3+s14], $0x80, s31, s14, $0xb8;
	[tilespmem:$0x10200] =	vst v63  }
.LBB2_2:
0x48: {  	s31 =	sadd.s32 $0xFFFFFFFF, s26  }
0x49: {  	s30 =	sand.u32 $0x1, s31  }
0x4a: {  	s0 =	sadd.s32 $0x3, s30  }
0x4b: {  	_ =	swait.ge [sflag:s0], $0x4000  }
0x4c: {  	p0 =	sgt.u32 s31, $0x5D;
	[sflag:s0] =	ssyncset.done $0x0  }
.Ltmp4:
0x4d: {  	[sflag:s0] =	ssyncadd.s32 $0xFFFFC000;
	(pc) =	sbr.rel @!p0 .LBB2_3-.Ltmp4, $4  }
0x4e: {  	_ =	swait.ge [sflag:s0], $0x4000  }
0x4f: {  	s1 =	sshll.u32 s30, $0xF;
	[sflag:s0] =	ssyncset.done $0x0  }
0x50: {  	[sflag:s0] =	ssyncadd.s32 $0xFFFFC000;
	s0 =	sor.u32 $0x200, s1;
	s1 =	sadd.s32 $0x5, s30  }
0x51: {  	[hbm4b:s28+s2] =	stream.linear.scatter [tilespmem:s0], [sflag:s1], $0x8000, $0x38;
	[tilespmem:$0x10200] =	vst v63  }
0x52: {  	p0 =	seq.s32 s26, $0x60  }
.Ltmp5:
0x53: {  	_ = 	snop;
	(pc) =	sbr.rel @!p0 .LBB2_5-.Ltmp5, $4  }
.Ltmp6:
0x54: {  	_ = 	snop;
	(pc) =	sbr.rel @p0 .LBB2_6-.Ltmp6, $4  }
0x55: {  	_ = 	snop  }
0x56: {  	_ = 	snop  }
0x57: {  	_ = 	snop  }
0x58: {  	_ = 	snop  }
.LBB2_7:
0x59: {  	_ =	sfence.sel $0x180000  }
0x5a: {  	[bflag:$0x0] =	sbarrier.arrive $0xFFFF  }
0x5b: {  	_ =	strace $0x9000004A  }
0x5c: {  	s0 =	stileid.u32;
	[bflag:$0x2] =	sbarrier.arrive $0xFFFF  }
0x5d: {  	p0 =	sne.s32 s0, $0x0;
	s0 =	rddreg [dreg:$0x1]  }
0x5e: {  	s0 =	sadd.s32 @!p0 $0x100000, s0  }
0x5f: {  	[sflag:s0] =	ssyncadd.tile.s32 @!p0 $0x1;
	_ =	shalt  }
.Lfunc_end2:
_tile_overlayer_lowered:
.L_overlay_start_2:
0x60: {  	(tag) =	ssettag $0x2  }
0x61: {  	s0 =	rddreg [dreg:$0x0];
	s2 =	stileid.u32  }
0x62: {  	s1 =	rddreg [dreg:$0x1];
	p0 =	sne.s32 s2, $0x0  }
0x63: {  	s3 =	rddreg [dreg:$0x2];
	[bflag:$0x3] =	sbarrier.arrive $0xFFFF;
	s2 =	simm.s32 @!p0 $0x1C07  }
0x64: {  	[timem:s3], [sflag:s2] =	dma.local @!p0 [hbm:s0], s1  }
0x65: {  	s0 =	simm.s32 @!p0 $0x7  }
0x66: {  	_ =	swait.ge @!p0 [sflag:s0], s1  }
0x67: {  	s1 =	ssub.s32 @!p0 $0x0, s1;
	[sflag:s0] =	ssyncset.done @!p0 $0x0  }
0x68: {  	[sflag:s0] =	ssyncadd.s32 @!p0 s1  }
0x69: {  	[bflag:$0x3] =	sbarrier.arrive $0xFFFF  }
0x6a: {  	_ =	shalt  }

// kernel: sparse-core-data-format-call.cloned.1.call-start
scs
called_computation_lowered:
.L_overlay_start_0:
0x0: {  	s1 =	sld [smem:$0x3FD9]  }
0x1: {  	s2 =	sld [smem:$0x3FFE];
	_ =	sdelay $0x1  }
0x2: {  	s3 =	srdreg.scid  }
0x3: {  	s0 =	sand.u32 $0x1, s3  }
0x4: {  	s17 =	sshll.u32 s0, $0xA;
	s1 =	sadd.s32 s2, s1  }
0x5: {  	s1 =	sadd.s32 s1, s17  }
0x6: {  	[smem:$0x3FB5] =	sst s1  }
0x7: {  	_ = 	snop  }
0x8: {  	(tm) =	ssettm $0x1  }
0x9: {  	s18 =	sld [smem:$0x3FFB];
	_ =	sdelay $0x3  }
0xa: {  	_ =	strace s18  }
0xb: {  	s1 =	sld [smem:$0x3FFC];
	_ =	sdelay $0x3  }
0xc: {  	_ =	strace s1  }
0xd: {  	s1 =	sld [smem:$0x3FFD];
	_ =	sdelay $0x3  }
0xe: {  	_ =	strace s1  }
0xf: {  	_ =	strace $0x8FFFFFFF  }
0x10: {  	s19 =	sld [smem:$0x3FDB];
	_ =	sdelay $0x1  }
0x11: {  	s20 =	simm.s32 $_scs_section_size  }
0x12: {  	s4 =	simm.s32 $_size__tile_overlayer_lowered;
	s5 =	simm.s32 $_tile_overlayer_lowered  }
0x13: {  	s23 =	simm.s32 $0x1BFF;
	s22 =	sshll.u32 s5, $0x1;
	s1 =	sadd.s32 s20, s19  }
0x14: {  	s6 =	simm.s32 $0x0;
	s21 =	sshll.u32 s4, $0x1;
	s4 =	sadd.s32 s22, s1  }
0x15: {  	[timem:s6], [sflag:s23] =	dma.local [hbm:s4], s21  }
0x16: {  	_ =	swait.ge [sflag:s23], s21  }
0x17: {  	s2 =	ssub.s32 $0x0, s21;
	[sflag:s23] =	ssyncset.done $0x0  }
0x18: {  	[sflag:s23] =	ssyncadd.s32 s2;
	_ =	sdelay $0x1  }
0x19: {  	s24 =	simm.s32 $0x1B8B  }
0x1a: {  	_ =	swait.ge [sflag:s24], $0x1  }
0x1b: {  	[sflag:s24] =	ssyncset.done $0x0  }
0x1c: {  	s26 =	simm.s32 $0x1B8E;
	s25 =	sld [smem:$0x3FFE];
	[sflag:s24] =	ssyncadd.s32 $0xFFFFFFFF  }
0x1d: {  	s27 =	simm.s32 $execute0_lowered;
	[smem:$0x3FD2] =	sst s26  }
0x1e: {  	s4 =	sshll.u32 s27, $0x1;
	_ =	strace $0x80000046;
	[dreg:$0x1] =	wrdreg $0xFFFFFFFF  }
0x1f: {  	s28 =	simm.s32 $_size_execute0_lowered;
	s1 =	sadd.s32 s1, s4;
	[dreg:$0x0] =	wrdreg $0x0  }
0x20: {  	s4 =	sshll.u32 s28, $0x1;
	[dreg:$0x2] =	wrdreg s1  }
0x21: {  	[dreg:$0x3] =	wrdreg s4  }
0x22: {  	[dreg:$0x4] =	wrdreg $0xC0  }
0x23: {  	_ =	task [dreg:s6], $0x5FFFF  }
0x24: {  	[dreg:$0x1] =	wrdreg $0xFFFFFFFF  }
0x25: {  	[dreg:$0x0] =	wrdreg $0x60  }
0x26: {  	[dreg:$0x2] =	wrdreg s25  }
0x27: {  	[dreg:$0x3] =	wrdreg $0x9  }
0x28: {  	_ =	task.clear_ibuf [dreg:s6], $0x4FFFF;
	_ =	strace $0x90000046  }
0x29: {  	s29 =	simm.s32 $0x9;
	_ =	strace $0x80000048  }
0x2a: {  	_ =	swait.ge [sflag:s29], $0x1  }
0x2b: {  	[sflag:s29] =	ssyncadd.s32 $0xFFFFFFFF  }
0x2c: {  	_ =	strace $0x90000048  }
0x2d: {  	_ =	sfence  }
0x2e: {  	s30 =	sld [smem:$0x0];
	_ =	sdelay $0x2  }
0x2f: {  	s31 =	sshll.u32 s3, $0xD;
	s3 =	sshrl.u32 s3, $0x2  }
0x30: {  	s2 =	sand.u32 $0x4000, s31;
	s1 =	sadd.s32 s3, s30  }
0x31: {  	s0 =	sor.u32 s2, s0;
	s1 =	sshll.u32 s1, $0x11  }
0x32: {  	s0 =	sor.u32 s1, s0  }
0x33: {  	s0 =	sadd.s32 $0x8F2B, s0  }
0x34: {  	[sflag:s0] =	ssyncadd.remote.s32 $0x1  }
0x35: {  	_ =	sfence.sel $0xFFFF  }
0x36: {  	[dreg:$0x0] =	wrdreg $0xFFFFFFFF;
	(pc) =	sbr.abs _section_cstart, $3  }
0x37: {  	[dreg:$0x1] =	wrdreg $0xFFFFFFFF  }
0x38: {  	_ =	task.clear_ibuf [dreg:s6], $0x2FFFF;
	_ =	strace $0x9FFFFFFF  }
0x39: {  	(tm) =	ssettm $0x7FFFFFFF  }
tec
execute0_lowered:
.L_overlay_start_1:
0x0: {  	(tag) =	ssettag $0x1  }
0x1: {  	s0 =	srdreg.scid  }
0x2: {  	s7 =	rddreg [dreg:$0x0];
	s1 =	sshll.u32 s0, $0x4  }
0x3: {  	s4 =	simm.s32 $0x1;
	s0 =	stileid.u32;
	s1 =	sand.u32 $0x10, s1  }
0x4: {  	s8 =	simm.s32 $0x2;
	s16 =	simm.s32 $0x0;
	s1 =	sor.u32 s0, s1  }
0x5: {  	s9 =	simm.s32 $0x800;
	s17 =	simm.s32 $0x0;
	s2 =	sshll.u32 s1, $0x7  }
0x6: {  	s15 =	simm.s32 $0x0;
	s18 =	simm.s32 $0x0;
	s3 =	ssub.s32 $0x4000, s2  }
0x7: {  	s10 =	simm.s32 $0x0;
	s12 =	simm.s32 $0x0;
	s31 =	sand.u32 $0xF80, s3  }
0x8: {  	s13 =	simm.s32 $0x0;
	s14 =	simm.s32 $0x0;
	p0 =	sne.s32 s31, $0x0  }
.Ltmp0:
0x9: {  	s3 =	sshrl.u32 s3, $0xC;
	s4 =	simm.s32 @!p0 $0x0;
	(pc) =	sbr.rel .LBB1_1-.Ltmp0, $4  }
0xa: {  	s6 =	sadd.s32 $0x903000, s7;
	s1 =	rddreg [dreg:$0x1];
	s5 =	sadd.s32 s4, s3  }
0xb: {  	_ =	strace $0x80000047;
	s4 =	simm.s32 $0x1;
	s5 =	smul.u32 $0xC, s5  }
0xc: {  	s11 =	smov.u32 s2;
	s3 =	sadd.s32 $0x603000, s7;
	[sflag:s4] =	ssyncpa.u1 $0x0  }
0xd: {  	s7 =	sadd.s32 $0xD03000, s7;
	[sflag:s8] =	ssyncpa.u1 $0x0;
	s8 =	sor.u32 $0x1, s5  }
.LBB1_7:
0xe: {  	s19 =	sadd.s32 $0x1000, s11  }
0xf: {  	s15 =	sadd.s32 $0x2, s10;
	s20 =	smov.u32 s10;
	p1 =	sgt.s32 s19, $0x3FFF  }
0x10: {  	s20 =	smov.u32 @p1 s15  }
0x11: {  	s21 =	smov.u32 s12;
	s15 =	sadd.s32 $0x40, s12;
	p2 =	sgt.s32 s20, $0x1  }
0x12: {  	s21 =	smov.u32 @p2 s15  }
0x13: {  	s15 =	simm.s32 $0x1;
	p3 =	sgt.s32 s21, $0x3F  }
0x14: {  	s15 =	simm.s32 @!p3 $0x0  }
0x15: {  	s23 =	sadd.s32 s15, s13  }
0x16: {  	p0 =	slt.u32 s14, $0x2;
	s19 =	smov.u32 @p1 s2;
	p1 =	sgt.s32 s23, $0xB  }
0x17: {  	s22 =	simm.s32 @!p0 $0x2;
	s23 =	simm.s32 @p1 $0x0;
	p1 =	sne.s32 s14, s8  }
.Ltmp1:
0x18: {  	s16 =	smov.u32 s11;
	_ =	swait.ge @!p0 [sflag:s22], $0x4000;
	(pc) =	sbr.rel @!p1 .LBB1_8-.Ltmp1, $4  }
0x19: {  	s17 =	smov.u32 s10;
	s18 =	smov.u32 s13;
	[sflag:s22] =	ssyncset.done @!p0 $0x0  }
0x1a: {  	s11 =	smov.u32 s19;
	s20 =	simm.s32 @p2 $0x0;
	[sflag:s22] =	ssyncadd.s32 @!p0 $0xFFFFC000  }
0x1b: {  	s10 =	smov.u32 s20;
	s21 =	simm.s32 @p3 $0x0;
	s15 =	smov.u32 s12  }
0x1c: {  	s12 =	smov.u32 s21;
	s14 =	sadd.s32 $0x1, s14;
	s13 =	smov.u32 s23  }
.LBB1_1:
0x1d: {  	p0 =	sge.u32 s14, s5  }
0x1e: {  	s31 =	sadd.s32 $0xFFFFFFFF, s14;
	s19 =	sxor.u32 @!p0 $0xFFFFFFFF, s14;
	s20 =	sshll.u32 @!p0 s10, $0x7  }
0x1f: {  	s21 =	sand.u32 @!p0 $0x78, s11;
	s22 =	sshll.u32 @!p0 s11, $0x1;
	s23 =	sshrl.u32 @!p0 s11, $0x2  }
0x20: {  	s20 =	sand.u32 @!p0 $0x80, s20;
	s19 =	sshll.u32 @!p0 s19, $0xE;
	s22 =	sand.u32 @!p0 $0x3F00, s22  }
0x21: {  	s23 =	sand.u32 @!p0 $0x800, s23;
	s20 =	sor.u32 @!p0 s20, s21;
	s21 =	sshll.u32 @!p0 s13, $0x12  }
0x22: {  	s20 =	sor.u32 @!p0 s22, s20;
	s22 =	sshll.u32 @!p0 s12, $0xC;
	s21 =	sadd.s32 @!p0 s3, s21  }
0x23: {  	s19 =	sand.u32 @!p0 $0x4000, s19;
	s21 =	sadd.s32 @!p0 s22, s21;
	s22 =	sand.u32 @!p0 $0x7, s11  }
0x24: {  	s20 =	sshrl.u32 @!p0 s20, $0x3;
	s21 =	sadd.s32 @!p0 s23, s21;
	s22 =	sshll.u32 @!p0 s22, $0x12  }
0x25: {  	s20 =	sadd.s32 @!p0 s20, s21;
	s21 =	sor.u32 @!p0 $0x100, s22;
	s22 =	simm.s32 @!p0 $0x8000  }
0x26: {  	[tilespmem:s19], [sflag:$0x1] =	stream.strided.gather @!p0 [hbm4b:s20+s21], $0x4000, s22, s21, $0x38;
	[tilespmem:$0x10200] =	vst v63  }
0x27: {  	p0 =	sge.u32 s31, s5  }
.Ltmp2:
0x28: {  	_ = 	snop;
	(pc) =	sbr.rel @p0 .LBB1_7-.Ltmp2, $1  }
0x29: {  	_ =	sdelay $0x3  }
0x2a: {  	s20 =	sand.u32 $0x1, s14  }
0x2b: {  	s19 =	smul.u32 $0x10400, s20  }
0x2c: {  	_ =	swait.ge [sflag:s4], $0x4000  }
0x2d: {  	s22 =	simm.s32 $0x0;
	[sflag:s4] =	ssyncset.done $0x0;
	s19 =	sshrl.u32 s19, $0x2  }
0x2e: {  	s21 =	sshll.u32 s20, $0xE;
	[sflag:s4] =	ssyncadd.s32 $0xFFFFC000;
	s20 =	sor.u32 $0x8000, s19  }
.LBB1_3:
0x2f: {  	s23 =	sshll.u32 s22, $0x8  }
0x30: {  	s23 =	sand.u32 $0x3FFFFF00, s23  }
0x31: {  	s23 =	sadd.s32 s23, s21  }
0x32: {  	v0 =	vmov s23;
	_ =	sdelay $0x1  }
0x33: {  	p0 =	por $0x1, $0x1;
	s23 =	simm.s32 $0x0  }
.LBB1_4:
0x34: {  	s24 =	sshll.u32 s23, $0x7  }
0x35: {  	s24 =	sand.u32 $0x3FFFFF80, s24  }
0x36: {  	s31 =	smul.u32 $0x8200, s23;
	v1 =	vld.idx.msk [tilespmem:v0+s24+$0x0 ss:$0x1], $0xffff  }
0x37: {  	v2 =	vld.idx.msk [tilespmem:v0+s24+$0x10 ss:$0x1], $0xffff  }
0x38: {  	s23 =	sshra.s32 s31, $0x2;
	v3 =	vld.idx.msk [tilespmem:v0+s24+$0x20 ss:$0x1], $0xffff  }
0x39: {  	v4 =	vld.idx.msk [tilespmem:v0+s24+$0x30 ss:$0x1], $0xffff;
	s23 =	sadd.s32 s23, s20  }
0x3a: {  	v5 =	vld.idx.msk [tilespmem:v0+s24+$0x40 ss:$0x1], $0xffff;
	s23 =	sadd.s32 s22, s23  }
0x3b: {  	[tilespmem:s23+$0x0 ss:$0x41] =	vst.msk $0xffff, v1;
	v1 =	vld.idx.msk [tilespmem:v0+s24+$0x50 ss:$0x1], $0xffff  }
0x3c: {  	[tilespmem:s23+$0x410 ss:$0x41] =	vst.msk $0xffff, v2;
	v2 =	vld.idx.msk [tilespmem:v0+s24+$0x60 ss:$0x1], $0xffff  }
0x3d: {  	p1 =	por p0, p0;
	[tilespmem:s23+$0x820 ss:$0x41] =	vst.msk $0xffff, v3;
	v3 =	vld.idx.msk [tilespmem:v0+s24+$0x70 ss:$0x1], $0xffff  }
.Ltmp3:
0x3e: {  	[tilespmem:s23+$0xC30 ss:$0x41] =	vst.msk $0xffff, v4;
	(pc) =	sbr.rel @p1 .LBB1_4-.Ltmp3, $4  }
0x3f: {  	[tilespmem:s23+$0x1040 ss:$0x41] =	vst.msk $0xffff, v5  }
0x40: {  	[tilespmem:s23+$0x1450 ss:$0x41] =	vst.msk $0xffff, v1  }
0x41: {  	[tilespmem:s23+$0x1860 ss:$0x41] =	vst.msk $0xffff, v2  }
0x42: {  	p0 =	por $0x0, $0x0;
	[tilespmem:s23+$0x1C70 ss:$0x41] =	vst.msk $0xffff, v3;
	s23 =	simm.s32 $0x1  }
0x43: {  	s22 =	sadd.s32 $0x1, s22  }
0x44: {  	p0 =	sne.s32 s22, $0x40  }
.Ltmp4:
0x45: {  	_ = 	snop;
	(pc) =	sbr.rel @p0 .LBB1_3-.Ltmp4, $1  }
0x46: {  	_ =	sdelay $0x3  }
0x47: {  	s18 =	sshll.u32 s18, $0x7;
	s21 =	sshll.u32 s15, $0x3;
	s17 =	sshll.u32 s17, $0x16  }
0x48: {  	s16 =	sshll.u32 s16, $0x8;
	s28 =	sshrl.u32 s15, $0x3;
	s30 =	sand.u32 $0x7, s15  }
0x49: {  	s22 =	sand.u32 $0x400, s18;
	s21 =	sand.u32 $0x400, s21;
	s18 =	sand.u32 $0x380, s18  }
0x4a: {  	s29 =	sadd.s32 s17, s16;
	s15 =	sshll.u32 s30, $0x12;
	s21 =	sadd.s32 s22, s21  }
0x4b: {  	s22 =	sadd.s32 s6, s29;
	s18 =	sor.u32 s18, s21;
	s21 =	sand.u32 $0xF, s28  }
0x4c: {  	s17 =	sadd.s32 s17, s7;
	s18 =	sshrl.u32 s18, $0x3;
	s22 =	sadd.s32 s21, s22  }
.Ltmp5:
0x4d: {  	s17 =	sadd.s32 s21, s17;
	s18 =	sand.u32 $0xF0, s18;
	(pc) =	sbr.rel .LBB1_7-.Ltmp5, $4  }
0x4e: {  	s15 =	sor.u32 $0x40, s15;
	s16 =	sadd.s32 s16, s17;
	s22 =	sadd.s32 s18, s22  }
0x4f: {  	[hbm4b:s22+s15] =	stream.strided.scatter [tilespmem:s20], [sflag:$0x2], $0x2000, s9, s15, $0x18;
	[tilespmem:$0x10200] =	vst v63  }
0x50: {  	s31 =	sadd.s32 $0xA080, s19;
	s16 =	sadd.s32 s18, s16  }
0x51: {  	[hbm4b:s16+s15] =	stream.strided.scatter [tilespmem:s31], [sflag:$0x2], $0x2000, s9, s15, $0x18;
	[tilespmem:$0x10200] =	vst v63  }
.LBB1_8:
0x52: {  	_ =	sfence.sel $0x180000  }
0x53: {  	s2 =	simm.s32 $0x1;
	[bflag:$0x0] =	sbarrier.arrive $0xFFFF  }
0x54: {  	s31 =	simm.s32 $0x2;
	[sflag:s2] =	ssyncpa.u1 $0x1  }
0x55: {  	[sflag:s31] =	ssyncpa.u1 $0x1  }
0x56: {  	p0 =	sne.s32 s0, $0x0;
	_ =	strace $0x90000047  }
0x57: {  	s0 =	sadd.s32 @!p0 $0x100000, s1;
	[bflag:$0x2] =	sbarrier.arrive $0xFFFF  }
0x58: {  	[sflag:s0] =	ssyncadd.tile.s32 @!p0 $0x1;
	_ =	shalt  }
.Lfunc_end1:
_tile_overlayer_lowered:
.L_overlay_start_2:
0x59: {  	(tag) =	ssettag $0x2  }
0x5a: {  	s0 =	rddreg [dreg:$0x0];
	s2 =	stileid.u32  }
0x5b: {  	s1 =	rddreg [dreg:$0x1];
	p0 =	sne.s32 s2, $0x0  }
0x5c: {  	s3 =	rddreg [dreg:$0x2];
	[bflag:$0x3] =	sbarrier.arrive $0xFFFF;
	s2 =	simm.s32 @!p0 $0x1C01  }
0x5d: {  	[timem:s3], [sflag:s2] =	dma.local @!p0 [hbm:s0], s1  }
0x5e: {  	s0 =	simm.s32 @!p0 $0x1  }
0x5f: {  	_ =	swait.ge @!p0 [sflag:s0], s1  }
0x60: {  	s1 =	ssub.s32 @!p0 $0x0, s1;
	[sflag:s0] =	ssyncset.done @!p0 $0x0  }
0x61: {  	[sflag:s0] =	ssyncadd.s32 @!p0 s1  }
0x62: {  	[bflag:$0x3] =	sbarrier.arrive $0xFFFF  }
0x63: {  	_ =	shalt  }

</sc_bundles>
